<compile_context>
chip_gen: v7x
topology: tpu7x:2x2x1
jax: 0.10.2.dev20260603
libtpu: 0.0.44.dev20260713+nightly
codegen_flags: <defaults>
</compile_context>

<pallas_src>
import functools

import jax
import jax.numpy as jnp
from jax import lax
from jax.experimental import pallas as pl
from jax.experimental.pallas import tpu as pltpu
from jax.experimental.pallas import tpu_sc as plsc

NC = 2
NS = 16
L = 16
K = 80
NB = 25


def _fill_iota_idx(ibuf, row, base):
    for v in range(K // L):
        ibuf[row, pl.ds(v * L, L)] = base + v * L + lax.iota(jnp.int32, L)


def _deg_body(npad, ept, dst_hbm, cnt_hbm, ibuf, dibuf, vbuf, rowbuf,
              sem, deg_sh):
    c = lax.axis_index("c")
    s = lax.axis_index("s")
    rpt = npad // NS
    row0 = s * rpt

    def zrow(r, carry):
        vbuf[r, :] = jnp.zeros((L,), jnp.float32)
        return carry

    lax.fori_loop(0, K, zrow, 0)

    def iinit(t, carry):
        _fill_iota_idx(ibuf, 0, row0 + t * K)
        pltpu.sync_copy(vbuf, deg_sh.at[ibuf.at[0]])
        return carry

    lax.fori_loop(0, rpt // K, iinit, 0)

    def orow(r, carry):
        vbuf[r, :] = jnp.full((L,), 1.0, jnp.float32)
        return carry

    lax.fori_loop(0, K, orow, 0)
    plsc.subcore_barrier()

    w = c * NS + s

    def dbatch(b, carry):
        pltpu.sync_copy(dst_hbm.at[w, b], dibuf)

        def chunk(ch, c2):
            pltpu.sync_copy(vbuf, deg_sh.at[dibuf.at[ch]], add=True)
            return c2

        lax.fori_loop(0, NB, chunk, 0)
        return carry

    lax.fori_loop(0, (ept // K) // NB, dbatch, 0)
    plsc.subcore_barrier()

    def rback(t, carry):
        _fill_iota_idx(ibuf, 0, row0 + t * K)
        pltpu.async_copy(deg_sh.at[ibuf.at[0]], rowbuf, sem).wait()
        pltpu.sync_copy(rowbuf,
                        cnt_hbm.at[pl.ds(c * npad + row0 + t * K, K)])
        return carry

    lax.fori_loop(0, rpt // K, rback, 0)


def _scat_body(npad, d, ept, hp_hbm, src_hbm, dst_hbm, acc_hbm,
               sibuf, dibuf, ibuf, zrows, rows, sem0, sem1,
               gsem, acc_sh):
    c = lax.axis_index("c")
    s = lax.axis_index("s")
    rpt = npad // NS
    row0 = s * rpt

    def zrow(r, carry):
        for j in range(d // L):
            zrows[r, pl.ds(j * L, L)] = jnp.zeros((L,), jnp.float32)
        return carry

    lax.fori_loop(0, K, zrow, 0)

    def iinit(t, carry):
        _fill_iota_idx(ibuf, 0, row0 + t * K)
        pltpu.sync_copy(zrows, acc_sh.at[ibuf.at[0]])
        return carry

    lax.fori_loop(0, rpt // K, iinit, 0)
    plsc.subcore_barrier()

    w = c * NS + s
    cpt = ept // K
    sems = (sem0, sem1)

    def batch(b, carry):
        pltpu.sync_copy(src_hbm.at[w, b], sibuf)
        pltpu.sync_copy(dst_hbm.at[w, b], dibuf)
        pltpu.async_copy(hp_hbm.at[sibuf.at[0]], rows.at[0], sem0)

        def step(k, c2):
            for j in range(2):
                ch = 2 * k + j
                pltpu.async_copy(hp_hbm.at[sibuf.at[ch + 1]], rows.at[1 - j],
                                 sems[1 - j])
                pltpu.make_async_copy(hp_hbm.at[sibuf.at[ch]], rows.at[j],
                                      sems[j]).wait()
                pltpu.sync_copy(rows.at[j], acc_sh.at[dibuf.at[ch]],
                                add=True)
            return c2

        lax.fori_loop(0, (NB - 1) // 2, step, 0)
        pltpu.make_async_copy(hp_hbm.at[sibuf.at[NB - 1]], rows.at[0],
                              sem0).wait()
        pltpu.sync_copy(rows.at[0], acc_sh.at[dibuf.at[NB - 1]], add=True)
        return carry

    lax.fori_loop(0, cpt // NB, batch, 0)

    plsc.subcore_barrier()

    def rback(t, carry):
        _fill_iota_idx(ibuf, 0, row0 + t * K)
        pltpu.async_copy(acc_sh.at[ibuf.at[0]], zrows, gsem).wait()
        pltpu.sync_copy(zrows,
                        acc_hbm.at[pl.ds(c * npad + row0 + t * K, K)])
        return carry

    lax.fori_loop(0, rpt // K, rback, 0)


def _mm_body(x_ref, w_ref, cnt0_ref, cnt1_ref, hp_ref):
    deg = 1.0 + cnt0_ref[:, 0:1] + cnt1_ref[:, 0:1]
    hp_ref[...] = jnp.dot(x_ref[...], w_ref[...],
                          preferred_element_type=jnp.float32) * lax.rsqrt(deg)


def _fin_body(acc0_ref, acc1_ref, hp_ref, cnt0_ref, cnt1_ref, b_ref,
              out_ref):
    deg = 1.0 + cnt0_ref[:, 0:1] + cnt1_ref[:, 0:1]
    out_ref[...] = (acc0_ref[...] + acc1_ref[...] + hp_ref[...]) \
        * lax.rsqrt(deg) + b_ref[...]


def kernel(x, edge_index, W, b):
    n, d_in = x.shape
    d_out = W.shape[1]
    e = edge_index.shape[1]
    nw = NC * NS
    ept = e // nw
    R = 1024
    npad = ((n + R - 1) // R) * R

    cpt = ept // K
    nbat = cpt // NB
    src = edge_index[0].reshape(nw, nbat, NB, K)
    dst = edge_index[1].reshape(nw, nbat, NB, K)

    mesh = plsc.VectorSubcoreMesh(core_axis_name="c", subcore_axis_name="s",
                                  num_cores=NC, num_subcores=NS)

    deg_call = pl.kernel(
        functools.partial(_deg_body, npad, ept),
        out_type=jax.ShapeDtypeStruct((NC * npad, L), jnp.float32),
        mesh=mesh,
        scratch_types=[
            pltpu.VMEM((1, K), jnp.int32),
            pltpu.VMEM((NB, K), jnp.int32),
            pltpu.VMEM((K, L), jnp.float32),
            pltpu.VMEM((K, L), jnp.float32),
            pltpu.SemaphoreType.DMA,
            pltpu.VMEM_SHARED((npad, L), jnp.float32),
        ],
    )
    cnt = deg_call(dst)
    cnt0 = cnt[:npad]
    cnt1 = cnt[npad:]

    grid = (npad // R,)
    blk = lambda i: (i, 0)
    hp = pl.pallas_call(
        _mm_body,
        grid=grid,
        in_specs=[
            pl.BlockSpec((R, d_in), blk),
            pl.BlockSpec((d_in, d_out), lambda i: (0, 0)),
            pl.BlockSpec((R, L), blk),
            pl.BlockSpec((R, L), blk),
        ],
        out_specs=pl.BlockSpec((R, d_out), blk),
        out_shape=jax.ShapeDtypeStruct((n, d_out), jnp.float32),
    )(x, W, cnt0, cnt1)

    scat_call = pl.kernel(
        functools.partial(_scat_body, npad, d_out, ept),
        out_type=jax.ShapeDtypeStruct((NC * npad, d_out), jnp.float32),
        mesh=mesh,
        scratch_types=[
            pltpu.VMEM((NB, K), jnp.int32),
            pltpu.VMEM((NB, K), jnp.int32),
            pltpu.VMEM((1, K), jnp.int32),
            pltpu.VMEM((K, d_out), jnp.float32),
            pltpu.VMEM((2, K, d_out), jnp.float32),
            pltpu.SemaphoreType.DMA,
            pltpu.SemaphoreType.DMA,
            pltpu.SemaphoreType.DMA,
            pltpu.VMEM_SHARED((npad, d_out), jnp.float32),
        ],
    )
    acc = scat_call(hp, src, dst)

    out = pl.pallas_call(
        _fin_body,
        grid=grid,
        in_specs=[
            pl.BlockSpec((R, d_out), blk),
            pl.BlockSpec((R, d_out), blk),
            pl.BlockSpec((R, d_out), blk),
            pl.BlockSpec((R, L), blk),
            pl.BlockSpec((R, L), blk),
            pl.BlockSpec((1, d_out), lambda i: (0, 0)),
        ],
        out_specs=pl.BlockSpec((R, d_out), blk),
        out_shape=jax.ShapeDtypeStruct((n, d_out), jnp.float32),
    )(acc[:npad], acc[npad:], hp, cnt0, cnt1, b.reshape(1, d_out))

    return out

# --- scband reference (transcript-rebuilt; emitter-appended) ---
"""Pipeline reference for scband-linear-encoder-29721173688330 (READ-ONLY COPY).

The authoritative reference and input builder live on the scoring server;
editing this copy changes nothing except your own understanding.
"""

import jax, jax.numpy as jnp
import numpy as np

N = 10000
E = 320000
D_IN = 128
D_OUT = 128


def setup_inputs(seed: int = 0) -> dict:
    key = jax.random.key(seed)
    k1, k2, k3 = jax.random.split(key, 3)
    x = jax.random.normal(k1, (N, D_IN), dtype=jnp.float32)
    edge_index = jax.random.randint(k2, (2, E), 0, N, dtype=jnp.int32)
    # GCNConv learned params: weight [in, out] (glorot-ish) and bias [out]
    W = jax.random.normal(k3, (D_IN, D_OUT), dtype=jnp.float32) * (1.0 / np.sqrt(D_IN))
    b = jnp.zeros((D_OUT,), dtype=jnp.float32)
    return {"x": x, "edge_index": edge_index, "W": W, "b": b}


def reference(x, edge_index, W, b):
    # Faithful GCNConv (PyG defaults): add self-loops, symmetric normalization,
    # linear transform, sum aggregation over dst, then bias.
    n = x.shape[0]
    src = edge_index[0]
    dst = edge_index[1]
    loop = jnp.arange(n, dtype=src.dtype)
    src = jnp.concatenate([src, loop], axis=0)
    dst = jnp.concatenate([dst, loop], axis=0)
    # degree over destination nodes (edge weight = 1)
    deg = jnp.zeros((n,), dtype=x.dtype).at[dst].add(1.0)
    deg_inv_sqrt = jnp.where(deg > 0, jax.lax.rsqrt(jnp.maximum(deg, 1e-12)), 0.0)
    norm = deg_inv_sqrt[src] * deg_inv_sqrt[dst]
    # linear transform
    h = x @ W
    # gather messages from src, scale by norm, scatter-add into dst
    msg = jnp.take(h, src, axis=0) * norm[:, None]
    out = jax.ops.segment_sum(msg, dst, num_segments=n)
    return out + b

if __name__ == "__main__":
    import jax
    _d = setup_inputs()
    print(jax.jit(kernel)(*tuple(_d.values())))

</pallas_src>

<mosaic_0001>
#map = affine_map<(d0, d1) -> (0, 0, 0, 0)>
#map1 = affine_map<(d0, d1) -> (0, 0)>
module attributes {stable_mosaic.version = 14 : i64} {
  func.func @_deg_body(%arg0: i32, %arg1: i32, %arg2: memref<32x5x25x80xi32, #tpu.memory_space<hbm>>, %arg3: memref<20480x16xf32, #tpu.memory_space<hbm>>, %arg4: memref<1x80xi32, #tpu.memory_space<vmem>>, %arg5: memref<25x80xi32, #tpu.memory_space<vmem>>, %arg6: memref<80x16xf32, #tpu.memory_space<vmem>>, %arg7: memref<80x16xf32, #tpu.memory_space<vmem>>, %arg8: memref<!tpu.dma_semaphore, #tpu.memory_space<semaphore_mem>>, %arg9: memref<10240x16xf32, #tpu.memory_space<vmem_shared>>) attributes {dimension_semantics = [#tpu.dimension_semantics<core_parallel>, #tpu.dimension_semantics<subcore_parallel>], iteration_bounds = array<i64: 2, 16>, scalar_prefetch = 0 : i64, scratch_operands = 6 : i64, tpu.core_type = #tpu.core_type<sc_vector_subcore>, window_params = [{transform_indices = #map}, {transform_indices = #map1}]} {
    %mul3A = arith.constant 640 : i32
    %mul3A_0 = arith.muli %arg1, %mul3A : i32
    %scan3A = arith.constant 0 : i32
    %scan3A_1 = arith.constant 0 : i32
    %scan3A_2 = arith.constant 80 : i32
    %scan3A_3 = arith.addi %scan3A_1, %scan3A_2 : i32
    %scan3A_4 = arith.constant 1 : i32
    scf.for %scan3A_33 = %scan3A_1 to %scan3A_3 step %scan3A_4  : i32 {
      %broadcast_in_dim3A = arith.constant 0.000000e+00 : f32
      %broadcast_in_dim3A_34 = vector.broadcast %broadcast_in_dim3A : f32 to vector<16xf32>
      %swap3A = arith.index_cast %scan3A_33 : i32 to index
      %swap3A_35 = arith.constant 0 : index
      %swap3A_36 = tpu.vector_load %arg6[%swap3A, %swap3A_35] {strides = array<i32>} : memref<80x16xf32, #tpu.memory_space<vmem>>, vector<1x16xf32>,
      %swap3A_37 = vector.shape_cast %swap3A_36 : vector<1x16xf32> to vector<16xf32>
      %swap3A_38 = vector.shape_cast %broadcast_in_dim3A_34 : vector<16xf32> to vector<1x16xf32>
      tpu.vector_store %arg6[%swap3A, %swap3A_35], %swap3A_38 {strides = array<i32>} : memref<80x16xf32, #tpu.memory_space<vmem>>, vector<1x16xf32>,
    }
    %scan3A_5 = arith.constant 80 : i32
    %scan3A_6 = arith.constant 0 : i32
    %scan3A_7 = arith.constant 0 : i32
    %scan3A_8 = arith.constant 8 : i32
    %scan3A_9 = arith.addi %scan3A_7, %scan3A_8 : i32
    %scan3A_10 = arith.constant 1 : i32
    scf.for %scan3A_33 = %scan3A_7 to %scan3A_9 step %scan3A_10  : i32 {
      %mul3A_34 = arith.constant 80 : i32
      %mul3A_35 = arith.muli %scan3A_33, %mul3A_34 : i32
      %add3A_36 = arith.addi %mul3A_0, %mul3A_35 : i32
      %add3A_37 = arith.constant 0 : i32
      %add3A_38 = arith.addi %add3A_36, %add3A_37 : i32
      %iota3A = tpu.iota {dimensions = array<i32: 0>} : vector<16xi32>
      %add3A_39 = vector.broadcast %add3A_38 : i32 to vector<16xi32>
      %add3A_40 = arith.addi %add3A_39, %iota3A : vector<16xi32>
      %swap3A = arith.constant 0 : i32
      %swap3A_41 = arith.index_cast %swap3A : i32 to index
      %swap3A_42 = arith.constant 0 : index
      %swap3A_43 = tpu.vector_load %arg4[%swap3A_41, %swap3A_42] {strides = array<i32>} : memref<1x80xi32, #tpu.memory_space<vmem>>, vector<1x16xi32>,
      %swap3A_44 = vector.shape_cast %swap3A_43 : vector<1x16xi32> to vector<16xi32>
      %swap3A_45 = vector.shape_cast %add3A_40 : vector<16xi32> to vector<1x16xi32>
      tpu.vector_store %arg4[%swap3A_41, %swap3A_42], %swap3A_45 {strides = array<i32>} : memref<1x80xi32, #tpu.memory_space<vmem>>, vector<1x16xi32>,
      %add3A_46 = arith.constant 16 : i32
      %add3A_47 = arith.addi %add3A_36, %add3A_46 : i32
      %iota3A_48 = tpu.iota {dimensions = array<i32: 0>} : vector<16xi32>
      %add3A_49 = vector.broadcast %add3A_47 : i32 to vector<16xi32>
      %add3A_50 = arith.addi %add3A_49, %iota3A_48 : vector<16xi32>
      %swap3A_51 = arith.constant 0 : i32
      %swap3A_52 = arith.index_cast %swap3A_51 : i32 to index
      %swap3A_53 = arith.constant 16 : index
      %swap3A_54 = tpu.vector_load %arg4[%swap3A_52, %swap3A_53] {strides = array<i32>} : memref<1x80xi32, #tpu.memory_space<vmem>>, vector<1x16xi32>,
      %swap3A_55 = vector.shape_cast %swap3A_54 : vector<1x16xi32> to vector<16xi32>
      %swap3A_56 = vector.shape_cast %add3A_50 : vector<16xi32> to vector<1x16xi32>
      tpu.vector_store %arg4[%swap3A_52, %swap3A_53], %swap3A_56 {strides = array<i32>} : memref<1x80xi32, #tpu.memory_space<vmem>>, vector<1x16xi32>,
      %add3A_57 = arith.constant 32 : i32
      %add3A_58 = arith.addi %add3A_36, %add3A_57 : i32
      %iota3A_59 = tpu.iota {dimensions = array<i32: 0>} : vector<16xi32>
      %add3A_60 = vector.broadcast %add3A_58 : i32 to vector<16xi32>
      %add3A_61 = arith.addi %add3A_60, %iota3A_59 : vector<16xi32>
      %swap3A_62 = arith.constant 0 : i32
      %swap3A_63 = arith.index_cast %swap3A_62 : i32 to index
      %swap3A_64 = arith.constant 32 : index
      %swap3A_65 = tpu.vector_load %arg4[%swap3A_63, %swap3A_64] {strides = array<i32>} : memref<1x80xi32, #tpu.memory_space<vmem>>, vector<1x16xi32>,
      %swap3A_66 = vector.shape_cast %swap3A_65 : vector<1x16xi32> to vector<16xi32>
      %swap3A_67 = vector.shape_cast %add3A_61 : vector<16xi32> to vector<1x16xi32>
      tpu.vector_store %arg4[%swap3A_63, %swap3A_64], %swap3A_67 {strides = array<i32>} : memref<1x80xi32, #tpu.memory_space<vmem>>, vector<1x16xi32>,
      %add3A_68 = arith.constant 48 : i32
      %add3A_69 = arith.addi %add3A_36, %add3A_68 : i32
      %iota3A_70 = tpu.iota {dimensions = array<i32: 0>} : vector<16xi32>
      %add3A_71 = vector.broadcast %add3A_69 : i32 to vector<16xi32>
      %add3A_72 = arith.addi %add3A_71, %iota3A_70 : vector<16xi32>
      %swap3A_73 = arith.constant 0 : i32
      %swap3A_74 = arith.index_cast %swap3A_73 : i32 to index
      %swap3A_75 = arith.constant 48 : index
      %swap3A_76 = tpu.vector_load %arg4[%swap3A_74, %swap3A_75] {strides = array<i32>} : memref<1x80xi32, #tpu.memory_space<vmem>>, vector<1x16xi32>,
      %swap3A_77 = vector.shape_cast %swap3A_76 : vector<1x16xi32> to vector<16xi32>
      %swap3A_78 = vector.shape_cast %add3A_72 : vector<16xi32> to vector<1x16xi32>
      tpu.vector_store %arg4[%swap3A_74, %swap3A_75], %swap3A_78 {strides = array<i32>} : memref<1x80xi32, #tpu.memory_space<vmem>>, vector<1x16xi32>,
      %add3A_79 = arith.constant 64 : i32
      %add3A_80 = arith.addi %add3A_36, %add3A_79 : i32
      %iota3A_81 = tpu.iota {dimensions = array<i32: 0>} : vector<16xi32>
      %add3A_82 = vector.broadcast %add3A_80 : i32 to vector<16xi32>
      %add3A_83 = arith.addi %add3A_82, %iota3A_81 : vector<16xi32>
      %swap3A_84 = arith.constant 0 : i32
      %swap3A_85 = arith.index_cast %swap3A_84 : i32 to index
      %swap3A_86 = arith.constant 64 : index
      %swap3A_87 = tpu.vector_load %arg4[%swap3A_85, %swap3A_86] {strides = array<i32>} : memref<1x80xi32, #tpu.memory_space<vmem>>, vector<1x16xi32>,
      %swap3A_88 = vector.shape_cast %swap3A_87 : vector<1x16xi32> to vector<16xi32>
      %swap3A_89 = vector.shape_cast %add3A_83 : vector<16xi32> to vector<1x16xi32>
      tpu.vector_store %arg4[%swap3A_85, %swap3A_86], %swap3A_89 {strides = array<i32>} : memref<1x80xi32, #tpu.memory_space<vmem>>, vector<1x16xi32>,
      %run_scoped3A = arith.constant 0 : i32
      "tpu.region"() ({
        %run_scoped3A_90 = tpu.sem_alloc : memref<!tpu.dma_semaphore, #tpu.memory_space<semaphore_mem>>
        %dma_start3A = arith.constant 0 : i32
        %dma_start3A_91 = tpu.memref_slice %arg4[%run_scoped3A, %dma_start3A] : memref<1x80xi32, #tpu.memory_space<vmem>> -> memref<1x80xi32, #tpu.memory_space<vmem>>
        %dma_start3A_92 = tpu.memref_squeeze %dma_start3A_91 : memref<1x80xi32, #tpu.memory_space<vmem>> -> memref<80xi32, #tpu.memory_space<vmem>>
        %dma_start3A_93 = arith.constant 0 : i32
        %dma_start3A_94 = arith.constant 0 : i32
        %dma_start3A_95 = tpu.memref_slice %arg9[%dma_start3A_93, %dma_start3A_94] : memref<10240x16xf32, #tpu.memory_space<vmem_shared>> -> memref<10240x16xf32, #tpu.memory_space<vmem_shared>>
        tpu.enqueue_indirect_dma source(%arg6 : memref<80x16xf32, #tpu.memory_space<vmem>>) target(%dma_start3A_95 : memref<10240x16xf32, #tpu.memory_space<vmem_shared>>) offsets(%dma_start3A_92 : memref<80xi32, #tpu.memory_space<vmem>>) semaphore(%run_scoped3A_90 : memref<!tpu.dma_semaphore, #tpu.memory_space<semaphore_mem>>)
        %dma_wait3A = arith.constant 0 : i32
        %dma_wait3A_96 = tpu.memref_slice %arg4[%run_scoped3A, %dma_wait3A] : memref<1x80xi32, #tpu.memory_space<vmem>> -> memref<1x80xi32, #tpu.memory_space<vmem>>
        %dma_wait3A_97 = tpu.memref_squeeze %dma_wait3A_96 : memref<1x80xi32, #tpu.memory_space<vmem>> -> memref<80xi32, #tpu.memory_space<vmem>>
        %dma_wait3A_98 = arith.constant 0 : i32
        %dma_wait3A_99 = arith.constant 0 : i32
        %dma_wait3A_100 = tpu.memref_slice %arg9[%dma_wait3A_98, %dma_wait3A_99] : memref<10240x16xf32, #tpu.memory_space<vmem_shared>> -> memref<10240x16xf32, #tpu.memory_space<vmem_shared>>
        tpu.wait_indirect_dma semaphore(%run_scoped3A_90 : memref<!tpu.dma_semaphore, #tpu.memory_space<semaphore_mem>>) src(%arg6 : memref<80x16xf32, #tpu.memory_space<vmem>>) dst(%dma_wait3A_100 : memref<10240x16xf32, #tpu.memory_space<vmem_shared>>)
        tpu.yield
      }) : () -> ()
    }
    %scan3A_11 = arith.constant 8 : i32
    %scan3A_12 = arith.constant 0 : i32
    %scan3A_13 = arith.constant 0 : i32
    %scan3A_14 = arith.constant 80 : i32
    %scan3A_15 = arith.addi %scan3A_13, %scan3A_14 : i32
    %scan3A_16 = arith.constant 1 : i32
    scf.for %scan3A_33 = %scan3A_13 to %scan3A_15 step %scan3A_16  : i32 {
      %broadcast_in_dim3A = arith.constant 1.000000e+00 : f32
      %broadcast_in_dim3A_34 = vector.broadcast %broadcast_in_dim3A : f32 to vector<16xf32>
      %swap3A = arith.index_cast %scan3A_33 : i32 to index
      %swap3A_35 = arith.constant 0 : index
      %swap3A_36 = tpu.vector_load %arg6[%swap3A, %swap3A_35] {strides = array<i32>} : memref<80x16xf32, #tpu.memory_space<vmem>>, vector<1x16xf32>,
      %swap3A_37 = vector.shape_cast %swap3A_36 : vector<1x16xf32> to vector<16xf32>
      %swap3A_38 = vector.shape_cast %broadcast_in_dim3A_34 : vector<16xf32> to vector<1x16xf32>
      tpu.vector_store %arg6[%swap3A, %swap3A_35], %swap3A_38 {strides = array<i32>} : memref<80x16xf32, #tpu.memory_space<vmem>>, vector<1x16xf32>,
    }
    %scan3A_17 = arith.constant 80 : i32
    %barrier3A = arith.constant 0 : index
    tpu.barrier barrier_id(%barrier3A)
    %mul3A_18 = arith.constant 16 : i32
    %mul3A_19 = arith.muli %arg0, %mul3A_18 : i32
    %add3A = arith.addi %mul3A_19, %arg1 : i32
    %scan3A_20 = arith.constant 0 : i32
    %scan3A_21 = arith.constant 0 : i32
    %scan3A_22 = arith.constant 5 : i32
    %scan3A_23 = arith.addi %scan3A_21, %scan3A_22 : i32
    %scan3A_24 = arith.constant 1 : i32
    scf.for %scan3A_33 = %scan3A_21 to %scan3A_23 step %scan3A_24  : i32 {
      "tpu.region"() ({
        %run_scoped3A = tpu.sem_alloc : memref<!tpu.dma_semaphore, #tpu.memory_space<semaphore_mem>>
        %dma_start3A = arith.constant 0 : i32
        %dma_start3A_40 = arith.constant 0 : i32
        %dma_start3A_41 = tpu.memref_slice %arg2[%add3A, %scan3A_33, %dma_start3A, %dma_start3A_40] : memref<32x5x25x80xi32, #tpu.memory_space<hbm>> -> memref<1x1x25x80xi32, #tpu.memory_space<hbm>>
        %dma_start3A_42 = tpu.memref_squeeze %dma_start3A_41 : memref<1x1x25x80xi32, #tpu.memory_space<hbm>> -> memref<25x80xi32, #tpu.memory_space<hbm>>
        %dma_start3A_43 = arith.constant 0 : i32
        %dma_start3A_44 = arith.constant 0 : i32
        %dma_start3A_45 = tpu.memref_slice %arg2[%add3A, %scan3A_33, %dma_start3A_43, %dma_start3A_44] : memref<32x5x25x80xi32, #tpu.memory_space<hbm>> -> memref<1x1x25x80xi32, #tpu.memory_space<hbm>>
        %dma_start3A_46 = tpu.memref_squeeze %dma_start3A_45 : memref<1x1x25x80xi32, #tpu.memory_space<hbm>> -> memref<25x80xi32, #tpu.memory_space<hbm>>
        tpu.enqueue_dma source(%dma_start3A_46 : memref<25x80xi32, #tpu.memory_space<hbm>>) target(%arg5 : memref<25x80xi32, #tpu.memory_space<vmem>>) target_semaphore(%run_scoped3A : memref<!tpu.dma_semaphore, #tpu.memory_space<semaphore_mem>>)
        %dma_wait3A = arith.constant 0 : i32
        %dma_wait3A_47 = arith.constant 0 : i32
        %dma_wait3A_48 = tpu.memref_slice %arg2[%add3A, %scan3A_33, %dma_wait3A, %dma_wait3A_47] : memref<32x5x25x80xi32, #tpu.memory_space<hbm>> -> memref<1x1x25x80xi32, #tpu.memory_space<hbm>>
        %dma_wait3A_49 = tpu.memref_squeeze %dma_wait3A_48 : memref<1x1x25x80xi32, #tpu.memory_space<hbm>> -> memref<25x80xi32, #tpu.memory_space<hbm>>
        %dma_wait3A_50 = arith.constant 0 : i32
        %dma_wait3A_51 = arith.constant 0 : i32
        %dma_wait3A_52 = tpu.memref_slice %arg2[%add3A, %scan3A_33, %dma_wait3A_50, %dma_wait3A_51] : memref<32x5x25x80xi32, #tpu.memory_space<hbm>> -> memref<1x1x25x80xi32, #tpu.memory_space<hbm>>
        %dma_wait3A_53 = tpu.memref_squeeze %dma_wait3A_52 : memref<1x1x25x80xi32, #tpu.memory_space<hbm>> -> memref<25x80xi32, #tpu.memory_space<hbm>>
        tpu.wait_dma2 semaphore(%run_scoped3A : memref<!tpu.dma_semaphore, #tpu.memory_space<semaphore_mem>>) src(%dma_wait3A_53 : memref<25x80xi32, #tpu.memory_space<hbm>>) dst(%arg5 : memref<25x80xi32, #tpu.memory_space<vmem>>)
        tpu.yield
      }) : () -> ()
      %scan3A_34 = arith.constant 0 : i32
      %scan3A_35 = arith.constant 0 : i32
      %scan3A_36 = arith.constant 25 : i32
      %scan3A_37 = arith.addi %scan3A_35, %scan3A_36 : i32
      %scan3A_38 = arith.constant 1 : i32
      scf.for %scan3A_40 = %scan3A_35 to %scan3A_37 step %scan3A_38  : i32 {
        "tpu.region"() ({
          %run_scoped3A = tpu.sem_alloc : memref<!tpu.dma_semaphore, #tpu.memory_space<semaphore_mem>>
          %dma_start3A = arith.constant 0 : i32
          %dma_start3A_41 = tpu.memref_slice %arg5[%scan3A_40, %dma_start3A] : memref<25x80xi32, #tpu.memory_space<vmem>> -> memref<1x80xi32, #tpu.memory_space<vmem>>
          %dma_start3A_42 = tpu.memref_squeeze %dma_start3A_41 : memref<1x80xi32, #tpu.memory_space<vmem>> -> memref<80xi32, #tpu.memory_space<vmem>>
          %dma_start3A_43 = arith.constant 0 : i32
          %dma_start3A_44 = arith.constant 0 : i32
          %dma_start3A_45 = tpu.memref_slice %arg9[%dma_start3A_43, %dma_start3A_44] : memref<10240x16xf32, #tpu.memory_space<vmem_shared>> -> memref<10240x16xf32, #tpu.memory_space<vmem_shared>>
          tpu.enqueue_indirect_dma source(%arg6 : memref<80x16xf32, #tpu.memory_space<vmem>>) target(%dma_start3A_45 : memref<10240x16xf32, #tpu.memory_space<vmem_shared>>) offsets(%dma_start3A_42 : memref<80xi32, #tpu.memory_space<vmem>>) semaphore(%run_scoped3A : memref<!tpu.dma_semaphore, #tpu.memory_space<semaphore_mem>>) {add = true}
          %dma_wait3A = arith.constant 0 : i32
          %dma_wait3A_46 = tpu.memref_slice %arg5[%scan3A_40, %dma_wait3A] : memref<25x80xi32, #tpu.memory_space<vmem>> -> memref<1x80xi32, #tpu.memory_space<vmem>>
          %dma_wait3A_47 = tpu.memref_squeeze %dma_wait3A_46 : memref<1x80xi32, #tpu.memory_space<vmem>> -> memref<80xi32, #tpu.memory_space<vmem>>
          %dma_wait3A_48 = arith.constant 0 : i32
          %dma_wait3A_49 = arith.constant 0 : i32
          %dma_wait3A_50 = tpu.memref_slice %arg9[%dma_wait3A_48, %dma_wait3A_49] : memref<10240x16xf32, #tpu.memory_space<vmem_shared>> -> memref<10240x16xf32, #tpu.memory_space<vmem_shared>>
          tpu.wait_indirect_dma semaphore(%run_scoped3A : memref<!tpu.dma_semaphore, #tpu.memory_space<semaphore_mem>>) src(%arg6 : memref<80x16xf32, #tpu.memory_space<vmem>>) dst(%dma_wait3A_50 : memref<10240x16xf32, #tpu.memory_space<vmem_shared>>)
          tpu.yield
        }) : () -> ()
      }
      %scan3A_39 = arith.constant 25 : i32
    }
    %scan3A_25 = arith.constant 5 : i32
    %barrier3A_26 = arith.constant 0 : index
    tpu.barrier barrier_id(%barrier3A_26)
    %scan3A_27 = arith.constant 0 : i32
    %scan3A_28 = arith.constant 0 : i32
    %scan3A_29 = arith.constant 8 : i32
    %scan3A_30 = arith.addi %scan3A_28, %scan3A_29 : i32
    %scan3A_31 = arith.constant 1 : i32
    scf.for %scan3A_33 = %scan3A_28 to %scan3A_30 step %scan3A_31  : i32 {
      %mul3A_34 = arith.constant 80 : i32
      %mul3A_35 = arith.muli %scan3A_33, %mul3A_34 : i32
      %add3A_36 = arith.addi %mul3A_0, %mul3A_35 : i32
      %add3A_37 = arith.constant 0 : i32
      %add3A_38 = arith.addi %add3A_36, %add3A_37 : i32
      %iota3A = tpu.iota {dimensions = array<i32: 0>} : vector<16xi32>
      %add3A_39 = vector.broadcast %add3A_38 : i32 to vector<16xi32>
      %add3A_40 = arith.addi %add3A_39, %iota3A : vector<16xi32>
      %swap3A = arith.constant 0 : i32
      %swap3A_41 = arith.index_cast %swap3A : i32 to index
      %swap3A_42 = arith.constant 0 : index
      %swap3A_43 = tpu.vector_load %arg4[%swap3A_41, %swap3A_42] {strides = array<i32>} : memref<1x80xi32, #tpu.memory_space<vmem>>, vector<1x16xi32>,
      %swap3A_44 = vector.shape_cast %swap3A_43 : vector<1x16xi32> to vector<16xi32>
      %swap3A_45 = vector.shape_cast %add3A_40 : vector<16xi32> to vector<1x16xi32>
      tpu.vector_store %arg4[%swap3A_41, %swap3A_42], %swap3A_45 {strides = array<i32>} : memref<1x80xi32, #tpu.memory_space<vmem>>, vector<1x16xi32>,
      %add3A_46 = arith.constant 16 : i32
      %add3A_47 = arith.addi %add3A_36, %add3A_46 : i32
      %iota3A_48 = tpu.iota {dimensions = array<i32: 0>} : vector<16xi32>
      %add3A_49 = vector.broadcast %add3A_47 : i32 to vector<16xi32>
      %add3A_50 = arith.addi %add3A_49, %iota3A_48 : vector<16xi32>
      %swap3A_51 = arith.constant 0 : i32
      %swap3A_52 = arith.index_cast %swap3A_51 : i32 to index
      %swap3A_53 = arith.constant 16 : index
      %swap3A_54 = tpu.vector_load %arg4[%swap3A_52, %swap3A_53] {strides = array<i32>} : memref<1x80xi32, #tpu.memory_space<vmem>>, vector<1x16xi32>,
      %swap3A_55 = vector.shape_cast %swap3A_54 : vector<1x16xi32> to vector<16xi32>
      %swap3A_56 = vector.shape_cast %add3A_50 : vector<16xi32> to vector<1x16xi32>
      tpu.vector_store %arg4[%swap3A_52, %swap3A_53], %swap3A_56 {strides = array<i32>} : memref<1x80xi32, #tpu.memory_space<vmem>>, vector<1x16xi32>,
      %add3A_57 = arith.constant 32 : i32
      %add3A_58 = arith.addi %add3A_36, %add3A_57 : i32
      %iota3A_59 = tpu.iota {dimensions = array<i32: 0>} : vector<16xi32>
      %add3A_60 = vector.broadcast %add3A_58 : i32 to vector<16xi32>
      %add3A_61 = arith.addi %add3A_60, %iota3A_59 : vector<16xi32>
      %swap3A_62 = arith.constant 0 : i32
      %swap3A_63 = arith.index_cast %swap3A_62 : i32 to index
      %swap3A_64 = arith.constant 32 : index
      %swap3A_65 = tpu.vector_load %arg4[%swap3A_63, %swap3A_64] {strides = array<i32>} : memref<1x80xi32, #tpu.memory_space<vmem>>, vector<1x16xi32>,
      %swap3A_66 = vector.shape_cast %swap3A_65 : vector<1x16xi32> to vector<16xi32>
      %swap3A_67 = vector.shape_cast %add3A_61 : vector<16xi32> to vector<1x16xi32>
      tpu.vector_store %arg4[%swap3A_63, %swap3A_64], %swap3A_67 {strides = array<i32>} : memref<1x80xi32, #tpu.memory_space<vmem>>, vector<1x16xi32>,
      %add3A_68 = arith.constant 48 : i32
      %add3A_69 = arith.addi %add3A_36, %add3A_68 : i32
      %iota3A_70 = tpu.iota {dimensions = array<i32: 0>} : vector<16xi32>
      %add3A_71 = vector.broadcast %add3A_69 : i32 to vector<16xi32>
      %add3A_72 = arith.addi %add3A_71, %iota3A_70 : vector<16xi32>
      %swap3A_73 = arith.constant 0 : i32
      %swap3A_74 = arith.index_cast %swap3A_73 : i32 to index
      %swap3A_75 = arith.constant 48 : index
      %swap3A_76 = tpu.vector_load %arg4[%swap3A_74, %swap3A_75] {strides = array<i32>} : memref<1x80xi32, #tpu.memory_space<vmem>>, vector<1x16xi32>,
      %swap3A_77 = vector.shape_cast %swap3A_76 : vector<1x16xi32> to vector<16xi32>
      %swap3A_78 = vector.shape_cast %add3A_72 : vector<16xi32> to vector<1x16xi32>
      tpu.vector_store %arg4[%swap3A_74, %swap3A_75], %swap3A_78 {strides = array<i32>} : memref<1x80xi32, #tpu.memory_space<vmem>>, vector<1x16xi32>,
      %add3A_79 = arith.constant 64 : i32
      %add3A_80 = arith.addi %add3A_36, %add3A_79 : i32
      %iota3A_81 = tpu.iota {dimensions = array<i32: 0>} : vector<16xi32>
      %add3A_82 = vector.broadcast %add3A_80 : i32 to vector<16xi32>
      %add3A_83 = arith.addi %add3A_82, %iota3A_81 : vector<16xi32>
      %swap3A_84 = arith.constant 0 : i32
      %swap3A_85 = arith.index_cast %swap3A_84 : i32 to index
      %swap3A_86 = arith.constant 64 : index
      %swap3A_87 = tpu.vector_load %arg4[%swap3A_85, %swap3A_86] {strides = array<i32>} : memref<1x80xi32, #tpu.memory_space<vmem>>, vector<1x16xi32>,
      %swap3A_88 = vector.shape_cast %swap3A_87 : vector<1x16xi32> to vector<16xi32>
      %swap3A_89 = vector.shape_cast %add3A_83 : vector<16xi32> to vector<1x16xi32>
      tpu.vector_store %arg4[%swap3A_85, %swap3A_86], %swap3A_89 {strides = array<i32>} : memref<1x80xi32, #tpu.memory_space<vmem>>, vector<1x16xi32>,
      %dma_start3A = arith.constant 0 : i32
      %dma_start3A_90 = arith.constant 0 : i32
      %dma_start3A_91 = tpu.memref_slice %arg4[%dma_start3A, %dma_start3A_90] : memref<1x80xi32, #tpu.memory_space<vmem>> -> memref<1x80xi32, #tpu.memory_space<vmem>>
      %dma_start3A_92 = tpu.memref_squeeze %dma_start3A_91 : memref<1x80xi32, #tpu.memory_space<vmem>> -> memref<80xi32, #tpu.memory_space<vmem>>
      %dma_start3A_93 = arith.constant 0 : i32
      %dma_start3A_94 = arith.constant 0 : i32
      %dma_start3A_95 = tpu.memref_slice %arg9[%dma_start3A_93, %dma_start3A_94] : memref<10240x16xf32, #tpu.memory_space<vmem_shared>> -> memref<10240x16xf32, #tpu.memory_space<vmem_shared>>
      tpu.enqueue_indirect_dma source(%dma_start3A_95 : memref<10240x16xf32, #tpu.memory_space<vmem_shared>>) target(%arg7 : memref<80x16xf32, #tpu.memory_space<vmem>>) offsets(%dma_start3A_92 : memref<80xi32, #tpu.memory_space<vmem>>) semaphore(%arg8 : memref<!tpu.dma_semaphore, #tpu.memory_space<semaphore_mem>>)
      %dma_wait3A = arith.constant 0 : i32
      %dma_wait3A_96 = arith.constant 0 : i32
      %dma_wait3A_97 = tpu.memref_slice %arg4[%dma_wait3A, %dma_wait3A_96] : memref<1x80xi32, #tpu.memory_space<vmem>> -> memref<1x80xi32, #tpu.memory_space<vmem>>
      %dma_wait3A_98 = tpu.memref_squeeze %dma_wait3A_97 : memref<1x80xi32, #tpu.memory_space<vmem>> -> memref<80xi32, #tpu.memory_space<vmem>>
      %dma_wait3A_99 = arith.constant 0 : i32
      %dma_wait3A_100 = arith.constant 0 : i32
      %dma_wait3A_101 = tpu.memref_slice %arg9[%dma_wait3A_99, %dma_wait3A_100] : memref<10240x16xf32, #tpu.memory_space<vmem_shared>> -> memref<10240x16xf32, #tpu.memory_space<vmem_shared>>
      tpu.wait_indirect_dma semaphore(%arg8 : memref<!tpu.dma_semaphore, #tpu.memory_space<semaphore_mem>>) src(%dma_wait3A_101 : memref<10240x16xf32, #tpu.memory_space<vmem_shared>>) dst(%arg7 : memref<80x16xf32, #tpu.memory_space<vmem>>)
      %mul3A_102 = arith.constant 10240 : i32
      %mul3A_103 = arith.muli %arg0, %mul3A_102 : i32
      %add3A_104 = arith.addi %mul3A_103, %mul3A_0 : i32
      %mul3A_105 = arith.constant 80 : i32
      %mul3A_106 = arith.muli %scan3A_33, %mul3A_105 : i32
      %add3A_107 = arith.addi %add3A_104, %mul3A_106 : i32
      "tpu.region"() ({
        %run_scoped3A = tpu.sem_alloc : memref<!tpu.dma_semaphore, #tpu.memory_space<semaphore_mem>>
        %dma_start3A_108 = arith.constant 0 : i32
        %dma_start3A_109 = tpu.memref_slice %arg3[%add3A_107, %dma_start3A_108] : memref<20480x16xf32, #tpu.memory_space<hbm>> -> memref<80x16xf32, #tpu.memory_space<hbm>>
        %dma_start3A_110 = arith.constant 0 : i32
        %dma_start3A_111 = tpu.memref_slice %arg3[%add3A_107, %dma_start3A_110] : memref<20480x16xf32, #tpu.memory_space<hbm>> -> memref<80x16xf32, #tpu.memory_space<hbm>>
        tpu.enqueue_dma source(%arg7 : memref<80x16xf32, #tpu.memory_space<vmem>>) target(%dma_start3A_111 : memref<80x16xf32, #tpu.memory_space<hbm>>) target_semaphore(%run_scoped3A : memref<!tpu.dma_semaphore, #tpu.memory_space<semaphore_mem>>)
        %dma_wait3A_112 = arith.constant 0 : i32
        %dma_wait3A_113 = tpu.memref_slice %arg3[%add3A_107, %dma_wait3A_112] : memref<20480x16xf32, #tpu.memory_space<hbm>> -> memref<80x16xf32, #tpu.memory_space<hbm>>
        %dma_wait3A_114 = arith.constant 0 : i32
        %dma_wait3A_115 = tpu.memref_slice %arg3[%add3A_107, %dma_wait3A_114] : memref<20480x16xf32, #tpu.memory_space<hbm>> -> memref<80x16xf32, #tpu.memory_space<hbm>>
        tpu.wait_dma2 semaphore(%run_scoped3A : memref<!tpu.dma_semaphore, #tpu.memory_space<semaphore_mem>>) src(%arg7 : memref<80x16xf32, #tpu.memory_space<vmem>>) dst(%dma_wait3A_115 : memref<80x16xf32, #tpu.memory_space<hbm>>)
        tpu.yield
      }) : () -> ()
    }
    %scan3A_32 = arith.constant 8 : i32
    return
  }
}

#map = affine_map<(d0, d1) -> (0, 0)>
#map1 = affine_map<(d0, d1) -> (0, 0, 0, 0)>
module attributes {stable_mosaic.version = 14 : i64} {
  func.func @_scat_body(%arg0: i32, %arg1: i32, %arg2: memref<10000x128xf32, #tpu.memory_space<hbm>>, %arg3: memref<32x5x25x80xi32, #tpu.memory_space<hbm>>, %arg4: memref<32x5x25x80xi32, #tpu.memory_space<hbm>>, %arg5: memref<20480x128xf32, #tpu.memory_space<hbm>>, %arg6: memref<25x80xi32, #tpu.memory_space<vmem>>, %arg7: memref<25x80xi32, #tpu.memory_space<vmem>>, %arg8: memref<1x80xi32, #tpu.memory_space<vmem>>, %arg9: memref<80x128xf32, #tpu.memory_space<vmem>>, %arg10: memref<2x80x128xf32, #tpu.memory_space<vmem>>, %arg11: memref<!tpu.dma_semaphore, #tpu.memory_space<semaphore_mem>>, %arg12: memref<!tpu.dma_semaphore, #tpu.memory_space<semaphore_mem>>, %arg13: memref<!tpu.dma_semaphore, #tpu.memory_space<semaphore_mem>>, %arg14: memref<10240x128xf32, #tpu.memory_space<vmem_shared>>) attributes {dimension_semantics = [#tpu.dimension_semantics<core_parallel>, #tpu.dimension_semantics<subcore_parallel>], iteration_bounds = array<i64: 2, 16>, scalar_prefetch = 0 : i64, scratch_operands = 9 : i64, tpu.core_type = #tpu.core_type<sc_vector_subcore>, window_params = [{transform_indices = #map}, {transform_indices = #map1}, {transform_indices = #map1}, {transform_indices = #map}]} {
    %mul3A = arith.constant 640 : i32
    %mul3A_0 = arith.muli %arg1, %mul3A : i32
    %scan3A = arith.constant 0 : i32
    %scan3A_1 = arith.constant 0 : i32
    %scan3A_2 = arith.constant 80 : i32
    %scan3A_3 = arith.addi %scan3A_1, %scan3A_2 : i32
    %scan3A_4 = arith.constant 1 : i32
    scf.for %scan3A_27 = %scan3A_1 to %scan3A_3 step %scan3A_4  : i32 {
      %broadcast_in_dim3A = arith.constant 0.000000e+00 : f32
      %broadcast_in_dim3A_28 = vector.broadcast %broadcast_in_dim3A : f32 to vector<16xf32>
      %swap3A = arith.index_cast %scan3A_27 : i32 to index
      %swap3A_29 = arith.constant 0 : index
      %swap3A_30 = tpu.vector_load %arg9[%swap3A, %swap3A_29] {strides = array<i32>} : memref<80x128xf32, #tpu.memory_space<vmem>>, vector<1x16xf32>,
      %swap3A_31 = vector.shape_cast %swap3A_30 : vector<1x16xf32> to vector<16xf32>
      %swap3A_32 = vector.shape_cast %broadcast_in_dim3A_28 : vector<16xf32> to vector<1x16xf32>
      tpu.vector_store %arg9[%swap3A, %swap3A_29], %swap3A_32 {strides = array<i32>} : memref<80x128xf32, #tpu.memory_space<vmem>>, vector<1x16xf32>,
      %broadcast_in_dim3A_33 = arith.constant 0.000000e+00 : f32
      %broadcast_in_dim3A_34 = vector.broadcast %broadcast_in_dim3A_33 : f32 to vector<16xf32>
      %swap3A_35 = arith.index_cast %scan3A_27 : i32 to index
      %swap3A_36 = arith.constant 16 : index
      %swap3A_37 = tpu.vector_load %arg9[%swap3A_35, %swap3A_36] {strides = array<i32>} : memref<80x128xf32, #tpu.memory_space<vmem>>, vector<1x16xf32>,
      %swap3A_38 = vector.shape_cast %swap3A_37 : vector<1x16xf32> to vector<16xf32>
      %swap3A_39 = vector.shape_cast %broadcast_in_dim3A_34 : vector<16xf32> to vector<1x16xf32>
      tpu.vector_store %arg9[%swap3A_35, %swap3A_36], %swap3A_39 {strides = array<i32>} : memref<80x128xf32, #tpu.memory_space<vmem>>, vector<1x16xf32>,
      %broadcast_in_dim3A_40 = arith.constant 0.000000e+00 : f32
      %broadcast_in_dim3A_41 = vector.broadcast %broadcast_in_dim3A_40 : f32 to vector<16xf32>
      %swap3A_42 = arith.index_cast %scan3A_27 : i32 to index
      %swap3A_43 = arith.constant 32 : index
      %swap3A_44 = tpu.vector_load %arg9[%swap3A_42, %swap3A_43] {strides = array<i32>} : memref<80x128xf32, #tpu.memory_space<vmem>>, vector<1x16xf32>,
      %swap3A_45 = vector.shape_cast %swap3A_44 : vector<1x16xf32> to vector<16xf32>
      %swap3A_46 = vector.shape_cast %broadcast_in_dim3A_41 : vector<16xf32> to vector<1x16xf32>
      tpu.vector_store %arg9[%swap3A_42, %swap3A_43], %swap3A_46 {strides = array<i32>} : memref<80x128xf32, #tpu.memory_space<vmem>>, vector<1x16xf32>,
      %broadcast_in_dim3A_47 = arith.constant 0.000000e+00 : f32
      %broadcast_in_dim3A_48 = vector.broadcast %broadcast_in_dim3A_47 : f32 to vector<16xf32>
      %swap3A_49 = arith.index_cast %scan3A_27 : i32 to index
      %swap3A_50 = arith.constant 48 : index
      %swap3A_51 = tpu.vector_load %arg9[%swap3A_49, %swap3A_50] {strides = array<i32>} : memref<80x128xf32, #tpu.memory_space<vmem>>, vector<1x16xf32>,
      %swap3A_52 = vector.shape_cast %swap3A_51 : vector<1x16xf32> to vector<16xf32>
      %swap3A_53 = vector.shape_cast %broadcast_in_dim3A_48 : vector<16xf32> to vector<1x16xf32>
      tpu.vector_store %arg9[%swap3A_49, %swap3A_50], %swap3A_53 {strides = array<i32>} : memref<80x128xf32, #tpu.memory_space<vmem>>, vector<1x16xf32>,
      %broadcast_in_dim3A_54 = arith.constant 0.000000e+00 : f32
      %broadcast_in_dim3A_55 = vector.broadcast %broadcast_in_dim3A_54 : f32 to vector<16xf32>
      %swap3A_56 = arith.index_cast %scan3A_27 : i32 to index
      %swap3A_57 = arith.constant 64 : index
      %swap3A_58 = tpu.vector_load %arg9[%swap3A_56, %swap3A_57] {strides = array<i32>} : memref<80x128xf32, #tpu.memory_space<vmem>>, vector<1x16xf32>,
      %swap3A_59 = vector.shape_cast %swap3A_58 : vector<1x16xf32> to vector<16xf32>
      %swap3A_60 = vector.shape_cast %broadcast_in_dim3A_55 : vector<16xf32> to vector<1x16xf32>
      tpu.vector_store %arg9[%swap3A_56, %swap3A_57], %swap3A_60 {strides = array<i32>} : memref<80x128xf32, #tpu.memory_space<vmem>>, vector<1x16xf32>,
      %broadcast_in_dim3A_61 = arith.constant 0.000000e+00 : f32
      %broadcast_in_dim3A_62 = vector.broadcast %broadcast_in_dim3A_61 : f32 to vector<16xf32>
      %swap3A_63 = arith.index_cast %scan3A_27 : i32 to index
      %swap3A_64 = arith.constant 80 : index
      %swap3A_65 = tpu.vector_load %arg9[%swap3A_63, %swap3A_64] {strides = array<i32>} : memref<80x128xf32, #tpu.memory_space<vmem>>, vector<1x16xf32>,
      %swap3A_66 = vector.shape_cast %swap3A_65 : vector<1x16xf32> to vector<16xf32>
      %swap3A_67 = vector.shape_cast %broadcast_in_dim3A_62 : vector<16xf32> to vector<1x16xf32>
      tpu.vector_store %arg9[%swap3A_63, %swap3A_64], %swap3A_67 {strides = array<i32>} : memref<80x128xf32, #tpu.memory_space<vmem>>, vector<1x16xf32>,
      %broadcast_in_dim3A_68 = arith.constant 0.000000e+00 : f32
      %broadcast_in_dim3A_69 = vector.broadcast %broadcast_in_dim3A_68 : f32 to vector<16xf32>
      %swap3A_70 = arith.index_cast %scan3A_27 : i32 to index
      %swap3A_71 = arith.constant 96 : index
      %swap3A_72 = tpu.vector_load %arg9[%swap3A_70, %swap3A_71] {strides = array<i32>} : memref<80x128xf32, #tpu.memory_space<vmem>>, vector<1x16xf32>,
      %swap3A_73 = vector.shape_cast %swap3A_72 : vector<1x16xf32> to vector<16xf32>
      %swap3A_74 = vector.shape_cast %broadcast_in_dim3A_69 : vector<16xf32> to vector<1x16xf32>
      tpu.vector_store %arg9[%swap3A_70, %swap3A_71], %swap3A_74 {strides = array<i32>} : memref<80x128xf32, #tpu.memory_space<vmem>>, vector<1x16xf32>,
      %broadcast_in_dim3A_75 = arith.constant 0.000000e+00 : f32
      %broadcast_in_dim3A_76 = vector.broadcast %broadcast_in_dim3A_75 : f32 to vector<16xf32>
      %swap3A_77 = arith.index_cast %scan3A_27 : i32 to index
      %swap3A_78 = arith.constant 112 : index
      %swap3A_79 = tpu.vector_load %arg9[%swap3A_77, %swap3A_78] {strides = array<i32>} : memref<80x128xf32, #tpu.memory_space<vmem>>, vector<1x16xf32>,
      %swap3A_80 = vector.shape_cast %swap3A_79 : vector<1x16xf32> to vector<16xf32>
      %swap3A_81 = vector.shape_cast %broadcast_in_dim3A_76 : vector<16xf32> to vector<1x16xf32>
      tpu.vector_store %arg9[%swap3A_77, %swap3A_78], %swap3A_81 {strides = array<i32>} : memref<80x128xf32, #tpu.memory_space<vmem>>, vector<1x16xf32>,
    }
    %scan3A_5 = arith.constant 80 : i32
    %scan3A_6 = arith.constant 0 : i32
    %scan3A_7 = arith.constant 0 : i32
    %scan3A_8 = arith.constant 8 : i32
    %scan3A_9 = arith.addi %scan3A_7, %scan3A_8 : i32
    %scan3A_10 = arith.constant 1 : i32
    scf.for %scan3A_27 = %scan3A_7 to %scan3A_9 step %scan3A_10  : i32 {
      %mul3A_28 = arith.constant 80 : i32
      %mul3A_29 = arith.muli %scan3A_27, %mul3A_28 : i32
      %add3A_30 = arith.addi %mul3A_0, %mul3A_29 : i32
      %add3A_31 = arith.constant 0 : i32
      %add3A_32 = arith.addi %add3A_30, %add3A_31 : i32
      %iota3A = tpu.iota {dimensions = array<i32: 0>} : vector<16xi32>
      %add3A_33 = vector.broadcast %add3A_32 : i32 to vector<16xi32>
      %add3A_34 = arith.addi %add3A_33, %iota3A : vector<16xi32>
      %swap3A = arith.constant 0 : i32
      %swap3A_35 = arith.index_cast %swap3A : i32 to index
      %swap3A_36 = arith.constant 0 : index
      %swap3A_37 = tpu.vector_load %arg8[%swap3A_35, %swap3A_36] {strides = array<i32>} : memref<1x80xi32, #tpu.memory_space<vmem>>, vector<1x16xi32>,
      %swap3A_38 = vector.shape_cast %swap3A_37 : vector<1x16xi32> to vector<16xi32>
      %swap3A_39 = vector.shape_cast %add3A_34 : vector<16xi32> to vector<1x16xi32>
      tpu.vector_store %arg8[%swap3A_35, %swap3A_36], %swap3A_39 {strides = array<i32>} : memref<1x80xi32, #tpu.memory_space<vmem>>, vector<1x16xi32>,
      %add3A_40 = arith.constant 16 : i32
      %add3A_41 = arith.addi %add3A_30, %add3A_40 : i32
      %iota3A_42 = tpu.iota {dimensions = array<i32: 0>} : vector<16xi32>
      %add3A_43 = vector.broadcast %add3A_41 : i32 to vector<16xi32>
      %add3A_44 = arith.addi %add3A_43, %iota3A_42 : vector<16xi32>
      %swap3A_45 = arith.constant 0 : i32
      %swap3A_46 = arith.index_cast %swap3A_45 : i32 to index
      %swap3A_47 = arith.constant 16 : index
      %swap3A_48 = tpu.vector_load %arg8[%swap3A_46, %swap3A_47] {strides = array<i32>} : memref<1x80xi32, #tpu.memory_space<vmem>>, vector<1x16xi32>,
      %swap3A_49 = vector.shape_cast %swap3A_48 : vector<1x16xi32> to vector<16xi32>
      %swap3A_50 = vector.shape_cast %add3A_44 : vector<16xi32> to vector<1x16xi32>
      tpu.vector_store %arg8[%swap3A_46, %swap3A_47], %swap3A_50 {strides = array<i32>} : memref<1x80xi32, #tpu.memory_space<vmem>>, vector<1x16xi32>,
      %add3A_51 = arith.constant 32 : i32
      %add3A_52 = arith.addi %add3A_30, %add3A_51 : i32
      %iota3A_53 = tpu.iota {dimensions = array<i32: 0>} : vector<16xi32>
      %add3A_54 = vector.broadcast %add3A_52 : i32 to vector<16xi32>
      %add3A_55 = arith.addi %add3A_54, %iota3A_53 : vector<16xi32>
      %swap3A_56 = arith.constant 0 : i32
      %swap3A_57 = arith.index_cast %swap3A_56 : i32 to index
      %swap3A_58 = arith.constant 32 : index
      %swap3A_59 = tpu.vector_load %arg8[%swap3A_57, %swap3A_58] {strides = array<i32>} : memref<1x80xi32, #tpu.memory_space<vmem>>, vector<1x16xi32>,
      %swap3A_60 = vector.shape_cast %swap3A_59 : vector<1x16xi32> to vector<16xi32>
      %swap3A_61 = vector.shape_cast %add3A_55 : vector<16xi32> to vector<1x16xi32>
      tpu.vector_store %arg8[%swap3A_57, %swap3A_58], %swap3A_61 {strides = array<i32>} : memref<1x80xi32, #tpu.memory_space<vmem>>, vector<1x16xi32>,
      %add3A_62 = arith.constant 48 : i32
      %add3A_63 = arith.addi %add3A_30, %add3A_62 : i32
      %iota3A_64 = tpu.iota {dimensions = array<i32: 0>} : vector<16xi32>
      %add3A_65 = vector.broadcast %add3A_63 : i32 to vector<16xi32>
      %add3A_66 = arith.addi %add3A_65, %iota3A_64 : vector<16xi32>
      %swap3A_67 = arith.constant 0 : i32
      %swap3A_68 = arith.index_cast %swap3A_67 : i32 to index
      %swap3A_69 = arith.constant 48 : index
      %swap3A_70 = tpu.vector_load %arg8[%swap3A_68, %swap3A_69] {strides = array<i32>} : memref<1x80xi32, #tpu.memory_space<vmem>>, vector<1x16xi32>,
      %swap3A_71 = vector.shape_cast %swap3A_70 : vector<1x16xi32> to vector<16xi32>
      %swap3A_72 = vector.shape_cast %add3A_66 : vector<16xi32> to vector<1x16xi32>
      tpu.vector_store %arg8[%swap3A_68, %swap3A_69], %swap3A_72 {strides = array<i32>} : memref<1x80xi32, #tpu.memory_space<vmem>>, vector<1x16xi32>,
      %add3A_73 = arith.constant 64 : i32
      %add3A_74 = arith.addi %add3A_30, %add3A_73 : i32
      %iota3A_75 = tpu.iota {dimensions = array<i32: 0>} : vector<16xi32>
      %add3A_76 = vector.broadcast %add3A_74 : i32 to vector<16xi32>
      %add3A_77 = arith.addi %add3A_76, %iota3A_75 : vector<16xi32>
      %swap3A_78 = arith.constant 0 : i32
      %swap3A_79 = arith.index_cast %swap3A_78 : i32 to index
      %swap3A_80 = arith.constant 64 : index
      %swap3A_81 = tpu.vector_load %arg8[%swap3A_79, %swap3A_80] {strides = array<i32>} : memref<1x80xi32, #tpu.memory_space<vmem>>, vector<1x16xi32>,
      %swap3A_82 = vector.shape_cast %swap3A_81 : vector<1x16xi32> to vector<16xi32>
      %swap3A_83 = vector.shape_cast %add3A_77 : vector<16xi32> to vector<1x16xi32>
      tpu.vector_store %arg8[%swap3A_79, %swap3A_80], %swap3A_83 {strides = array<i32>} : memref<1x80xi32, #tpu.memory_space<vmem>>, vector<1x16xi32>,
      %run_scoped3A = arith.constant 0 : i32
      "tpu.region"() ({
        %run_scoped3A_84 = tpu.sem_alloc : memref<!tpu.dma_semaphore, #tpu.memory_space<semaphore_mem>>
        %dma_start3A = arith.constant 0 : i32
        %dma_start3A_85 = tpu.memref_slice %arg8[%run_scoped3A, %dma_start3A] : memref<1x80xi32, #tpu.memory_space<vmem>> -> memref<1x80xi32, #tpu.memory_space<vmem>>
        %dma_start3A_86 = tpu.memref_squeeze %dma_start3A_85 : memref<1x80xi32, #tpu.memory_space<vmem>> -> memref<80xi32, #tpu.memory_space<vmem>>
        %dma_start3A_87 = arith.constant 0 : i32
        %dma_start3A_88 = arith.constant 0 : i32
        %dma_start3A_89 = tpu.memref_slice %arg14[%dma_start3A_87, %dma_start3A_88] : memref<10240x128xf32, #tpu.memory_space<vmem_shared>> -> memref<10240x128xf32, #tpu.memory_space<vmem_shared>>
        tpu.enqueue_indirect_dma source(%arg9 : memref<80x128xf32, #tpu.memory_space<vmem>>) target(%dma_start3A_89 : memref<10240x128xf32, #tpu.memory_space<vmem_shared>>) offsets(%dma_start3A_86 : memref<80xi32, #tpu.memory_space<vmem>>) semaphore(%run_scoped3A_84 : memref<!tpu.dma_semaphore, #tpu.memory_space<semaphore_mem>>)
        %dma_wait3A = arith.constant 0 : i32
        %dma_wait3A_90 = tpu.memref_slice %arg8[%run_scoped3A, %dma_wait3A] : memref<1x80xi32, #tpu.memory_space<vmem>> -> memref<1x80xi32, #tpu.memory_space<vmem>>
        %dma_wait3A_91 = tpu.memref_squeeze %dma_wait3A_90 : memref<1x80xi32, #tpu.memory_space<vmem>> -> memref<80xi32, #tpu.memory_space<vmem>>
        %dma_wait3A_92 = arith.constant 0 : i32
        %dma_wait3A_93 = arith.constant 0 : i32
        %dma_wait3A_94 = tpu.memref_slice %arg14[%dma_wait3A_92, %dma_wait3A_93] : memref<10240x128xf32, #tpu.memory_space<vmem_shared>> -> memref<10240x128xf32, #tpu.memory_space<vmem_shared>>
        tpu.wait_indirect_dma semaphore(%run_scoped3A_84 : memref<!tpu.dma_semaphore, #tpu.memory_space<semaphore_mem>>) src(%arg9 : memref<80x128xf32, #tpu.memory_space<vmem>>) dst(%dma_wait3A_94 : memref<10240x128xf32, #tpu.memory_space<vmem_shared>>)
        tpu.yield
      }) : () -> ()
    }
    %scan3A_11 = arith.constant 8 : i32
    %barrier3A = arith.constant 0 : index
    tpu.barrier barrier_id(%barrier3A)
    %mul3A_12 = arith.constant 16 : i32
    %mul3A_13 = arith.muli %arg0, %mul3A_12 : i32
    %add3A = arith.addi %mul3A_13, %arg1 : i32
    %scan3A_14 = arith.constant 0 : i32
    %scan3A_15 = arith.constant 0 : i32
    %scan3A_16 = arith.constant 5 : i32
    %scan3A_17 = arith.addi %scan3A_15, %scan3A_16 : i32
    %scan3A_18 = arith.constant 1 : i32
    scf.for %scan3A_27 = %scan3A_15 to %scan3A_17 step %scan3A_18  : i32 {
      "tpu.region"() ({
        %run_scoped3A_57 = tpu.sem_alloc : memref<!tpu.dma_semaphore, #tpu.memory_space<semaphore_mem>>
        %dma_start3A_58 = arith.constant 0 : i32
        %dma_start3A_59 = arith.constant 0 : i32
        %dma_start3A_60 = tpu.memref_slice %arg3[%add3A, %scan3A_27, %dma_start3A_58, %dma_start3A_59] : memref<32x5x25x80xi32, #tpu.memory_space<hbm>> -> memref<1x1x25x80xi32, #tpu.memory_space<hbm>>
        %dma_start3A_61 = tpu.memref_squeeze %dma_start3A_60 : memref<1x1x25x80xi32, #tpu.memory_space<hbm>> -> memref<25x80xi32, #tpu.memory_space<hbm>>
        %dma_start3A_62 = arith.constant 0 : i32
        %dma_start3A_63 = arith.constant 0 : i32
        %dma_start3A_64 = tpu.memref_slice %arg3[%add3A, %scan3A_27, %dma_start3A_62, %dma_start3A_63] : memref<32x5x25x80xi32, #tpu.memory_space<hbm>> -> memref<1x1x25x80xi32, #tpu.memory_space<hbm>>
        %dma_start3A_65 = tpu.memref_squeeze %dma_start3A_64 : memref<1x1x25x80xi32, #tpu.memory_space<hbm>> -> memref<25x80xi32, #tpu.memory_space<hbm>>
        tpu.enqueue_dma source(%dma_start3A_65 : memref<25x80xi32, #tpu.memory_space<hbm>>) target(%arg6 : memref<25x80xi32, #tpu.memory_space<vmem>>) target_semaphore(%run_scoped3A_57 : memref<!tpu.dma_semaphore, #tpu.memory_space<semaphore_mem>>)
        %dma_wait3A_66 = arith.constant 0 : i32
        %dma_wait3A_67 = arith.constant 0 : i32
        %dma_wait3A_68 = tpu.memref_slice %arg3[%add3A, %scan3A_27, %dma_wait3A_66, %dma_wait3A_67] : memref<32x5x25x80xi32, #tpu.memory_space<hbm>> -> memref<1x1x25x80xi32, #tpu.memory_space<hbm>>
        %dma_wait3A_69 = tpu.memref_squeeze %dma_wait3A_68 : memref<1x1x25x80xi32, #tpu.memory_space<hbm>> -> memref<25x80xi32, #tpu.memory_space<hbm>>
        %dma_wait3A_70 = arith.constant 0 : i32
        %dma_wait3A_71 = arith.constant 0 : i32
        %dma_wait3A_72 = tpu.memref_slice %arg3[%add3A, %scan3A_27, %dma_wait3A_70, %dma_wait3A_71] : memref<32x5x25x80xi32, #tpu.memory_space<hbm>> -> memref<1x1x25x80xi32, #tpu.memory_space<hbm>>
        %dma_wait3A_73 = tpu.memref_squeeze %dma_wait3A_72 : memref<1x1x25x80xi32, #tpu.memory_space<hbm>> -> memref<25x80xi32, #tpu.memory_space<hbm>>
        tpu.wait_dma2 semaphore(%run_scoped3A_57 : memref<!tpu.dma_semaphore, #tpu.memory_space<semaphore_mem>>) src(%dma_wait3A_73 : memref<25x80xi32, #tpu.memory_space<hbm>>) dst(%arg6 : memref<25x80xi32, #tpu.memory_space<vmem>>)
        tpu.yield
      }) : () -> ()
      "tpu.region"() ({
        %run_scoped3A_57 = tpu.sem_alloc : memref<!tpu.dma_semaphore, #tpu.memory_space<semaphore_mem>>
        %dma_start3A_58 = arith.constant 0 : i32
        %dma_start3A_59 = arith.constant 0 : i32
        %dma_start3A_60 = tpu.memref_slice %arg4[%add3A, %scan3A_27, %dma_start3A_58, %dma_start3A_59] : memref<32x5x25x80xi32, #tpu.memory_space<hbm>> -> memref<1x1x25x80xi32, #tpu.memory_space<hbm>>
        %dma_start3A_61 = tpu.memref_squeeze %dma_start3A_60 : memref<1x1x25x80xi32, #tpu.memory_space<hbm>> -> memref<25x80xi32, #tpu.memory_space<hbm>>
        %dma_start3A_62 = arith.constant 0 : i32
        %dma_start3A_63 = arith.constant 0 : i32
        %dma_start3A_64 = tpu.memref_slice %arg4[%add3A, %scan3A_27, %dma_start3A_62, %dma_start3A_63] : memref<32x5x25x80xi32, #tpu.memory_space<hbm>> -> memref<1x1x25x80xi32, #tpu.memory_space<hbm>>
        %dma_start3A_65 = tpu.memref_squeeze %dma_start3A_64 : memref<1x1x25x80xi32, #tpu.memory_space<hbm>> -> memref<25x80xi32, #tpu.memory_space<hbm>>
        tpu.enqueue_dma source(%dma_start3A_65 : memref<25x80xi32, #tpu.memory_space<hbm>>) target(%arg7 : memref<25x80xi32, #tpu.memory_space<vmem>>) target_semaphore(%run_scoped3A_57 : memref<!tpu.dma_semaphore, #tpu.memory_space<semaphore_mem>>)
        %dma_wait3A_66 = arith.constant 0 : i32
        %dma_wait3A_67 = arith.constant 0 : i32
        %dma_wait3A_68 = tpu.memref_slice %arg4[%add3A, %scan3A_27, %dma_wait3A_66, %dma_wait3A_67] : memref<32x5x25x80xi32, #tpu.memory_space<hbm>> -> memref<1x1x25x80xi32, #tpu.memory_space<hbm>>
        %dma_wait3A_69 = tpu.memref_squeeze %dma_wait3A_68 : memref<1x1x25x80xi32, #tpu.memory_space<hbm>> -> memref<25x80xi32, #tpu.memory_space<hbm>>
        %dma_wait3A_70 = arith.constant 0 : i32
        %dma_wait3A_71 = arith.constant 0 : i32
        %dma_wait3A_72 = tpu.memref_slice %arg4[%add3A, %scan3A_27, %dma_wait3A_70, %dma_wait3A_71] : memref<32x5x25x80xi32, #tpu.memory_space<hbm>> -> memref<1x1x25x80xi32, #tpu.memory_space<hbm>>
        %dma_wait3A_73 = tpu.memref_squeeze %dma_wait3A_72 : memref<1x1x25x80xi32, #tpu.memory_space<hbm>> -> memref<25x80xi32, #tpu.memory_space<hbm>>
        tpu.wait_dma2 semaphore(%run_scoped3A_57 : memref<!tpu.dma_semaphore, #tpu.memory_space<semaphore_mem>>) src(%dma_wait3A_73 : memref<25x80xi32, #tpu.memory_space<hbm>>) dst(%arg7 : memref<25x80xi32, #tpu.memory_space<vmem>>)
        tpu.yield
      }) : () -> ()
      %dma_start3A = arith.constant 0 : i32
      %dma_start3A_28 = arith.constant 0 : i32
      %dma_start3A_29 = arith.constant 0 : i32
      %dma_start3A_30 = arith.constant 0 : i32
      %dma_start3A_31 = tpu.memref_slice %arg10[%dma_start3A_28, %dma_start3A_29, %dma_start3A_30] : memref<2x80x128xf32, #tpu.memory_space<vmem>> -> memref<1x80x128xf32, #tpu.memory_space<vmem>>
      %dma_start3A_32 = tpu.memref_squeeze %dma_start3A_31 : memref<1x80x128xf32, #tpu.memory_space<vmem>> -> memref<80x128xf32, #tpu.memory_space<vmem>>
      %dma_start3A_33 = arith.constant 0 : i32
      %dma_start3A_34 = tpu.memref_slice %arg6[%dma_start3A, %dma_start3A_33] : memref<25x80xi32, #tpu.memory_space<vmem>> -> memref<1x80xi32, #tpu.memory_space<vmem>>
      %dma_start3A_35 = tpu.memref_squeeze %dma_start3A_34 : memref<1x80xi32, #tpu.memory_space<vmem>> -> memref<80xi32, #tpu.memory_space<vmem>>
      %dma_start3A_36 = arith.constant 0 : i32
      %dma_start3A_37 = arith.constant 0 : i32
      %dma_start3A_38 = tpu.memref_slice %arg2[%dma_start3A_36, %dma_start3A_37] : memref<10000x128xf32, #tpu.memory_space<hbm>> -> memref<10000x128xf32, #tpu.memory_space<hbm>>
      tpu.enqueue_indirect_dma source(%dma_start3A_38 : memref<10000x128xf32, #tpu.memory_space<hbm>>) target(%dma_start3A_32 : memref<80x128xf32, #tpu.memory_space<vmem>>) offsets(%dma_start3A_35 : memref<80xi32, #tpu.memory_space<vmem>>) semaphore(%arg11 : memref<!tpu.dma_semaphore, #tpu.memory_space<semaphore_mem>>)
      %scan3A_39 = arith.constant 0 : i32
      %scan3A_40 = arith.constant 0 : i32
      %scan3A_41 = arith.constant 12 : i32
      %scan3A_42 = arith.addi %scan3A_40, %scan3A_41 : i32
      %scan3A_43 = arith.constant 1 : i32
      scf.for %scan3A_57 = %scan3A_40 to %scan3A_42 step %scan3A_43  : i32 {
        %mul3A_58 = arith.constant 2 : i32
        %mul3A_59 = arith.muli %mul3A_58, %scan3A_57 : i32
        %add3A_60 = arith.constant 0 : i32
        %add3A_61 = arith.addi %mul3A_59, %add3A_60 : i32
        %add3A_62 = arith.constant 1 : i32
        %add3A_63 = arith.addi %add3A_61, %add3A_62 : i32
        %dma_start3A_64 = arith.constant 1 : i32
        %dma_start3A_65 = arith.constant 0 : i32
        %dma_start3A_66 = arith.constant 0 : i32
        %dma_start3A_67 = tpu.memref_slice %arg10[%dma_start3A_64, %dma_start3A_65, %dma_start3A_66] : memref<2x80x128xf32, #tpu.memory_space<vmem>> -> memref<1x80x128xf32, #tpu.memory_space<vmem>>
        %dma_start3A_68 = tpu.memref_squeeze %dma_start3A_67 : memref<1x80x128xf32, #tpu.memory_space<vmem>> -> memref<80x128xf32, #tpu.memory_space<vmem>>
        %dma_start3A_69 = arith.constant 0 : i32
        %dma_start3A_70 = tpu.memref_slice %arg6[%add3A_63, %dma_start3A_69] : memref<25x80xi32, #tpu.memory_space<vmem>> -> memref<1x80xi32, #tpu.memory_space<vmem>>
        %dma_start3A_71 = tpu.memref_squeeze %dma_start3A_70 : memref<1x80xi32, #tpu.memory_space<vmem>> -> memref<80xi32, #tpu.memory_space<vmem>>
        %dma_start3A_72 = arith.constant 0 : i32
        %dma_start3A_73 = arith.constant 0 : i32
        %dma_start3A_74 = tpu.memref_slice %arg2[%dma_start3A_72, %dma_start3A_73] : memref<10000x128xf32, #tpu.memory_space<hbm>> -> memref<10000x128xf32, #tpu.memory_space<hbm>>
        tpu.enqueue_indirect_dma source(%dma_start3A_74 : memref<10000x128xf32, #tpu.memory_space<hbm>>) target(%dma_start3A_68 : memref<80x128xf32, #tpu.memory_space<vmem>>) offsets(%dma_start3A_71 : memref<80xi32, #tpu.memory_space<vmem>>) semaphore(%arg12 : memref<!tpu.dma_semaphore, #tpu.memory_space<semaphore_mem>>)
        %dma_wait3A_75 = arith.constant 0 : i32
        %dma_wait3A_76 = arith.constant 0 : i32
        %dma_wait3A_77 = arith.constant 0 : i32
        %dma_wait3A_78 = tpu.memref_slice %arg10[%dma_wait3A_75, %dma_wait3A_76, %dma_wait3A_77] : memref<2x80x128xf32, #tpu.memory_space<vmem>> -> memref<1x80x128xf32, #tpu.memory_space<vmem>>
        %dma_wait3A_79 = tpu.memref_squeeze %dma_wait3A_78 : memref<1x80x128xf32, #tpu.memory_space<vmem>> -> memref<80x128xf32, #tpu.memory_space<vmem>>
        %dma_wait3A_80 = arith.constant 0 : i32
        %dma_wait3A_81 = tpu.memref_slice %arg6[%add3A_61, %dma_wait3A_80] : memref<25x80xi32, #tpu.memory_space<vmem>> -> memref<1x80xi32, #tpu.memory_space<vmem>>
        %dma_wait3A_82 = tpu.memref_squeeze %dma_wait3A_81 : memref<1x80xi32, #tpu.memory_space<vmem>> -> memref<80xi32, #tpu.memory_space<vmem>>
        %dma_wait3A_83 = arith.constant 0 : i32
        %dma_wait3A_84 = arith.constant 0 : i32
        %dma_wait3A_85 = tpu.memref_slice %arg2[%dma_wait3A_83, %dma_wait3A_84] : memref<10000x128xf32, #tpu.memory_space<hbm>> -> memref<10000x128xf32, #tpu.memory_space<hbm>>
        tpu.wait_indirect_dma semaphore(%arg11 : memref<!tpu.dma_semaphore, #tpu.memory_space<semaphore_mem>>) src(%dma_wait3A_85 : memref<10000x128xf32, #tpu.memory_space<hbm>>) dst(%dma_wait3A_79 : memref<80x128xf32, #tpu.memory_space<vmem>>)
        %run_scoped3A_86 = arith.constant 0 : i32
        "tpu.region"() ({
          %run_scoped3A_116 = tpu.sem_alloc : memref<!tpu.dma_semaphore, #tpu.memory_space<semaphore_mem>>
          %dma_start3A_117 = arith.constant 0 : i32
          %dma_start3A_118 = arith.constant 0 : i32
          %dma_start3A_119 = tpu.memref_slice %arg10[%run_scoped3A_86, %dma_start3A_117, %dma_start3A_118] : memref<2x80x128xf32, #tpu.memory_space<vmem>> -> memref<1x80x128xf32, #tpu.memory_space<vmem>>
          %dma_start3A_120 = tpu.memref_squeeze %dma_start3A_119 : memref<1x80x128xf32, #tpu.memory_space<vmem>> -> memref<80x128xf32, #tpu.memory_space<vmem>>
          %dma_start3A_121 = arith.constant 0 : i32
          %dma_start3A_122 = tpu.memref_slice %arg7[%add3A_61, %dma_start3A_121] : memref<25x80xi32, #tpu.memory_space<vmem>> -> memref<1x80xi32, #tpu.memory_space<vmem>>
          %dma_start3A_123 = tpu.memref_squeeze %dma_start3A_122 : memref<1x80xi32, #tpu.memory_space<vmem>> -> memref<80xi32, #tpu.memory_space<vmem>>
          %dma_start3A_124 = arith.constant 0 : i32
          %dma_start3A_125 = arith.constant 0 : i32
          %dma_start3A_126 = tpu.memref_slice %arg14[%dma_start3A_124, %dma_start3A_125] : memref<10240x128xf32, #tpu.memory_space<vmem_shared>> -> memref<10240x128xf32, #tpu.memory_space<vmem_shared>>
          tpu.enqueue_indirect_dma source(%dma_start3A_120 : memref<80x128xf32, #tpu.memory_space<vmem>>) target(%dma_start3A_126 : memref<10240x128xf32, #tpu.memory_space<vmem_shared>>) offsets(%dma_start3A_123 : memref<80xi32, #tpu.memory_space<vmem>>) semaphore(%run_scoped3A_116 : memref<!tpu.dma_semaphore, #tpu.memory_space<semaphore_mem>>) {add = true}
          %dma_wait3A_127 = arith.constant 0 : i32
          %dma_wait3A_128 = arith.constant 0 : i32
          %dma_wait3A_129 = tpu.memref_slice %arg10[%run_scoped3A_86, %dma_wait3A_127, %dma_wait3A_128] : memref<2x80x128xf32, #tpu.memory_space<vmem>> -> memref<1x80x128xf32, #tpu.memory_space<vmem>>
          %dma_wait3A_130 = tpu.memref_squeeze %dma_wait3A_129 : memref<1x80x128xf32, #tpu.memory_space<vmem>> -> memref<80x128xf32, #tpu.memory_space<vmem>>
          %dma_wait3A_131 = arith.constant 0 : i32
          %dma_wait3A_132 = tpu.memref_slice %arg7[%add3A_61, %dma_wait3A_131] : memref<25x80xi32, #tpu.memory_space<vmem>> -> memref<1x80xi32, #tpu.memory_space<vmem>>
          %dma_wait3A_133 = tpu.memref_squeeze %dma_wait3A_132 : memref<1x80xi32, #tpu.memory_space<vmem>> -> memref<80xi32, #tpu.memory_space<vmem>>
          %dma_wait3A_134 = arith.constant 0 : i32
          %dma_wait3A_135 = arith.constant 0 : i32
          %dma_wait3A_136 = tpu.memref_slice %arg14[%dma_wait3A_134, %dma_wait3A_135] : memref<10240x128xf32, #tpu.memory_space<vmem_shared>> -> memref<10240x128xf32, #tpu.memory_space<vmem_shared>>
          tpu.wait_indirect_dma semaphore(%run_scoped3A_116 : memref<!tpu.dma_semaphore, #tpu.memory_space<semaphore_mem>>) src(%dma_wait3A_130 : memref<80x128xf32, #tpu.memory_space<vmem>>) dst(%dma_wait3A_136 : memref<10240x128xf32, #tpu.memory_space<vmem_shared>>)
          tpu.yield
        }) : () -> ()
        %mul3A_87 = arith.constant 2 : i32
        %mul3A_88 = arith.muli %mul3A_87, %scan3A_57 : i32
        %add3A_89 = arith.constant 1 : i32
        %add3A_90 = arith.addi %mul3A_88, %add3A_89 : i32
        %add3A_91 = arith.constant 1 : i32
        %add3A_92 = arith.addi %add3A_90, %add3A_91 : i32
        %dma_start3A_93 = arith.constant 0 : i32
        %dma_start3A_94 = arith.constant 0 : i32
        %dma_start3A_95 = arith.constant 0 : i32
        %dma_start3A_96 = tpu.memref_slice %arg10[%dma_start3A_93, %dma_start3A_94, %dma_start3A_95] : memref<2x80x128xf32, #tpu.memory_space<vmem>> -> memref<1x80x128xf32, #tpu.memory_space<vmem>>
        %dma_start3A_97 = tpu.memref_squeeze %dma_start3A_96 : memref<1x80x128xf32, #tpu.memory_space<vmem>> -> memref<80x128xf32, #tpu.memory_space<vmem>>
        %dma_start3A_98 = arith.constant 0 : i32
        %dma_start3A_99 = tpu.memref_slice %arg6[%add3A_92, %dma_start3A_98] : memref<25x80xi32, #tpu.memory_space<vmem>> -> memref<1x80xi32, #tpu.memory_space<vmem>>
        %dma_start3A_100 = tpu.memref_squeeze %dma_start3A_99 : memref<1x80xi32, #tpu.memory_space<vmem>> -> memref<80xi32, #tpu.memory_space<vmem>>
        %dma_start3A_101 = arith.constant 0 : i32
        %dma_start3A_102 = arith.constant 0 : i32
        %dma_start3A_103 = tpu.memref_slice %arg2[%dma_start3A_101, %dma_start3A_102] : memref<10000x128xf32, #tpu.memory_space<hbm>> -> memref<10000x128xf32, #tpu.memory_space<hbm>>
        tpu.enqueue_indirect_dma source(%dma_start3A_103 : memref<10000x128xf32, #tpu.memory_space<hbm>>) target(%dma_start3A_97 : memref<80x128xf32, #tpu.memory_space<vmem>>) offsets(%dma_start3A_100 : memref<80xi32, #tpu.memory_space<vmem>>) semaphore(%arg11 : memref<!tpu.dma_semaphore, #tpu.memory_space<semaphore_mem>>)
        %dma_wait3A_104 = arith.constant 1 : i32
        %dma_wait3A_105 = arith.constant 0 : i32
        %dma_wait3A_106 = arith.constant 0 : i32
        %dma_wait3A_107 = tpu.memref_slice %arg10[%dma_wait3A_104, %dma_wait3A_105, %dma_wait3A_106] : memref<2x80x128xf32, #tpu.memory_space<vmem>> -> memref<1x80x128xf32, #tpu.memory_space<vmem>>
        %dma_wait3A_108 = tpu.memref_squeeze %dma_wait3A_107 : memref<1x80x128xf32, #tpu.memory_space<vmem>> -> memref<80x128xf32, #tpu.memory_space<vmem>>
        %dma_wait3A_109 = arith.constant 0 : i32
        %dma_wait3A_110 = tpu.memref_slice %arg6[%add3A_90, %dma_wait3A_109] : memref<25x80xi32, #tpu.memory_space<vmem>> -> memref<1x80xi32, #tpu.memory_space<vmem>>
        %dma_wait3A_111 = tpu.memref_squeeze %dma_wait3A_110 : memref<1x80xi32, #tpu.memory_space<vmem>> -> memref<80xi32, #tpu.memory_space<vmem>>
        %dma_wait3A_112 = arith.constant 0 : i32
        %dma_wait3A_113 = arith.constant 0 : i32
        %dma_wait3A_114 = tpu.memref_slice %arg2[%dma_wait3A_112, %dma_wait3A_113] : memref<10000x128xf32, #tpu.memory_space<hbm>> -> memref<10000x128xf32, #tpu.memory_space<hbm>>
        tpu.wait_indirect_dma semaphore(%arg12 : memref<!tpu.dma_semaphore, #tpu.memory_space<semaphore_mem>>) src(%dma_wait3A_114 : memref<10000x128xf32, #tpu.memory_space<hbm>>) dst(%dma_wait3A_108 : memref<80x128xf32, #tpu.memory_space<vmem>>)
        %run_scoped3A_115 = arith.constant 1 : i32
        "tpu.region"() ({
          %run_scoped3A_116 = tpu.sem_alloc : memref<!tpu.dma_semaphore, #tpu.memory_space<semaphore_mem>>
          %dma_start3A_117 = arith.constant 0 : i32
          %dma_start3A_118 = arith.constant 0 : i32
          %dma_start3A_119 = tpu.memref_slice %arg10[%run_scoped3A_115, %dma_start3A_117, %dma_start3A_118] : memref<2x80x128xf32, #tpu.memory_space<vmem>> -> memref<1x80x128xf32, #tpu.memory_space<vmem>>
          %dma_start3A_120 = tpu.memref_squeeze %dma_start3A_119 : memref<1x80x128xf32, #tpu.memory_space<vmem>> -> memref<80x128xf32, #tpu.memory_space<vmem>>
          %dma_start3A_121 = arith.constant 0 : i32
          %dma_start3A_122 = tpu.memref_slice %arg7[%add3A_90, %dma_start3A_121] : memref<25x80xi32, #tpu.memory_space<vmem>> -> memref<1x80xi32, #tpu.memory_space<vmem>>
          %dma_start3A_123 = tpu.memref_squeeze %dma_start3A_122 : memref<1x80xi32, #tpu.memory_space<vmem>> -> memref<80xi32, #tpu.memory_space<vmem>>
          %dma_start3A_124 = arith.constant 0 : i32
          %dma_start3A_125 = arith.constant 0 : i32
          %dma_start3A_126 = tpu.memref_slice %arg14[%dma_start3A_124, %dma_start3A_125] : memref<10240x128xf32, #tpu.memory_space<vmem_shared>> -> memref<10240x128xf32, #tpu.memory_space<vmem_shared>>
          tpu.enqueue_indirect_dma source(%dma_start3A_120 : memref<80x128xf32, #tpu.memory_space<vmem>>) target(%dma_start3A_126 : memref<10240x128xf32, #tpu.memory_space<vmem_shared>>) offsets(%dma_start3A_123 : memref<80xi32, #tpu.memory_space<vmem>>) semaphore(%run_scoped3A_116 : memref<!tpu.dma_semaphore, #tpu.memory_space<semaphore_mem>>) {add = true}
          %dma_wait3A_127 = arith.constant 0 : i32
          %dma_wait3A_128 = arith.constant 0 : i32
          %dma_wait3A_129 = tpu.memref_slice %arg10[%run_scoped3A_115, %dma_wait3A_127, %dma_wait3A_128] : memref<2x80x128xf32, #tpu.memory_space<vmem>> -> memref<1x80x128xf32, #tpu.memory_space<vmem>>
          %dma_wait3A_130 = tpu.memref_squeeze %dma_wait3A_129 : memref<1x80x128xf32, #tpu.memory_space<vmem>> -> memref<80x128xf32, #tpu.memory_space<vmem>>
          %dma_wait3A_131 = arith.constant 0 : i32
          %dma_wait3A_132 = tpu.memref_slice %arg7[%add3A_90, %dma_wait3A_131] : memref<25x80xi32, #tpu.memory_space<vmem>> -> memref<1x80xi32, #tpu.memory_space<vmem>>
          %dma_wait3A_133 = tpu.memref_squeeze %dma_wait3A_132 : memref<1x80xi32, #tpu.memory_space<vmem>> -> memref<80xi32, #tpu.memory_space<vmem>>
          %dma_wait3A_134 = arith.constant 0 : i32
          %dma_wait3A_135 = arith.constant 0 : i32
          %dma_wait3A_136 = tpu.memref_slice %arg14[%dma_wait3A_134, %dma_wait3A_135] : memref<10240x128xf32, #tpu.memory_space<vmem_shared>> -> memref<10240x128xf32, #tpu.memory_space<vmem_shared>>
          tpu.wait_indirect_dma semaphore(%run_scoped3A_116 : memref<!tpu.dma_semaphore, #tpu.memory_space<semaphore_mem>>) src(%dma_wait3A_130 : memref<80x128xf32, #tpu.memory_space<vmem>>) dst(%dma_wait3A_136 : memref<10240x128xf32, #tpu.memory_space<vmem_shared>>)
          tpu.yield
        }) : () -> ()
      }
      %scan3A_44 = arith.constant 12 : i32
      %dma_wait3A = arith.constant 24 : i32
      %dma_wait3A_45 = arith.constant 0 : i32
      %dma_wait3A_46 = arith.constant 0 : i32
      %dma_wait3A_47 = arith.constant 0 : i32
      %dma_wait3A_48 = tpu.memref_slice %arg10[%dma_wait3A_45, %dma_wait3A_46, %dma_wait3A_47] : memref<2x80x128xf32, #tpu.memory_space<vmem>> -> memref<1x80x128xf32, #tpu.memory_space<vmem>>
      %dma_wait3A_49 = tpu.memref_squeeze %dma_wait3A_48 : memref<1x80x128xf32, #tpu.memory_space<vmem>> -> memref<80x128xf32, #tpu.memory_space<vmem>>
      %dma_wait3A_50 = arith.constant 0 : i32
      %dma_wait3A_51 = tpu.memref_slice %arg6[%dma_wait3A, %dma_wait3A_50] : memref<25x80xi32, #tpu.memory_space<vmem>> -> memref<1x80xi32, #tpu.memory_space<vmem>>
      %dma_wait3A_52 = tpu.memref_squeeze %dma_wait3A_51 : memref<1x80xi32, #tpu.memory_space<vmem>> -> memref<80xi32, #tpu.memory_space<vmem>>
      %dma_wait3A_53 = arith.constant 0 : i32
      %dma_wait3A_54 = arith.constant 0 : i32
      %dma_wait3A_55 = tpu.memref_slice %arg2[%dma_wait3A_53, %dma_wait3A_54] : memref<10000x128xf32, #tpu.memory_space<hbm>> -> memref<10000x128xf32, #tpu.memory_space<hbm>>
      tpu.wait_indirect_dma semaphore(%arg11 : memref<!tpu.dma_semaphore, #tpu.memory_space<semaphore_mem>>) src(%dma_wait3A_55 : memref<10000x128xf32, #tpu.memory_space<hbm>>) dst(%dma_wait3A_49 : memref<80x128xf32, #tpu.memory_space<vmem>>)
      %run_scoped3A = arith.constant 0 : i32
      %run_scoped3A_56 = arith.constant 24 : i32
      "tpu.region"() ({
        %run_scoped3A_57 = tpu.sem_alloc : memref<!tpu.dma_semaphore, #tpu.memory_space<semaphore_mem>>
        %dma_start3A_58 = arith.constant 0 : i32
        %dma_start3A_59 = arith.constant 0 : i32
        %dma_start3A_60 = tpu.memref_slice %arg10[%run_scoped3A, %dma_start3A_58, %dma_start3A_59] : memref<2x80x128xf32, #tpu.memory_space<vmem>> -> memref<1x80x128xf32, #tpu.memory_space<vmem>>
        %dma_start3A_61 = tpu.memref_squeeze %dma_start3A_60 : memref<1x80x128xf32, #tpu.memory_space<vmem>> -> memref<80x128xf32, #tpu.memory_space<vmem>>
        %dma_start3A_62 = arith.constant 0 : i32
        %dma_start3A_63 = tpu.memref_slice %arg7[%run_scoped3A_56, %dma_start3A_62] : memref<25x80xi32, #tpu.memory_space<vmem>> -> memref<1x80xi32, #tpu.memory_space<vmem>>
        %dma_start3A_64 = tpu.memref_squeeze %dma_start3A_63 : memref<1x80xi32, #tpu.memory_space<vmem>> -> memref<80xi32, #tpu.memory_space<vmem>>
        %dma_start3A_65 = arith.constant 0 : i32
        %dma_start3A_66 = arith.constant 0 : i32
        %dma_start3A_67 = tpu.memref_slice %arg14[%dma_start3A_65, %dma_start3A_66] : memref<10240x128xf32, #tpu.memory_space<vmem_shared>> -> memref<10240x128xf32, #tpu.memory_space<vmem_shared>>
        tpu.enqueue_indirect_dma source(%dma_start3A_61 : memref<80x128xf32, #tpu.memory_space<vmem>>) target(%dma_start3A_67 : memref<10240x128xf32, #tpu.memory_space<vmem_shared>>) offsets(%dma_start3A_64 : memref<80xi32, #tpu.memory_space<vmem>>) semaphore(%run_scoped3A_57 : memref<!tpu.dma_semaphore, #tpu.memory_space<semaphore_mem>>) {add = true}
        %dma_wait3A_68 = arith.constant 0 : i32
        %dma_wait3A_69 = arith.constant 0 : i32
        %dma_wait3A_70 = tpu.memref_slice %arg10[%run_scoped3A, %dma_wait3A_68, %dma_wait3A_69] : memref<2x80x128xf32, #tpu.memory_space<vmem>> -> memref<1x80x128xf32, #tpu.memory_space<vmem>>
        %dma_wait3A_71 = tpu.memref_squeeze %dma_wait3A_70 : memref<1x80x128xf32, #tpu.memory_space<vmem>> -> memref<80x128xf32, #tpu.memory_space<vmem>>
        %dma_wait3A_72 = arith.constant 0 : i32
        %dma_wait3A_73 = tpu.memref_slice %arg7[%run_scoped3A_56, %dma_wait3A_72] : memref<25x80xi32, #tpu.memory_space<vmem>> -> memref<1x80xi32, #tpu.memory_space<vmem>>
        %dma_wait3A_74 = tpu.memref_squeeze %dma_wait3A_73 : memref<1x80xi32, #tpu.memory_space<vmem>> -> memref<80xi32, #tpu.memory_space<vmem>>
        %dma_wait3A_75 = arith.constant 0 : i32
        %dma_wait3A_76 = arith.constant 0 : i32
        %dma_wait3A_77 = tpu.memref_slice %arg14[%dma_wait3A_75, %dma_wait3A_76] : memref<10240x128xf32, #tpu.memory_space<vmem_shared>> -> memref<10240x128xf32, #tpu.memory_space<vmem_shared>>
        tpu.wait_indirect_dma semaphore(%run_scoped3A_57 : memref<!tpu.dma_semaphore, #tpu.memory_space<semaphore_mem>>) src(%dma_wait3A_71 : memref<80x128xf32, #tpu.memory_space<vmem>>) dst(%dma_wait3A_77 : memref<10240x128xf32, #tpu.memory_space<vmem_shared>>)
        tpu.yield
      }) : () -> ()
    }
    %scan3A_19 = arith.constant 5 : i32
    %barrier3A_20 = arith.constant 0 : index
    tpu.barrier barrier_id(%barrier3A_20)
    %scan3A_21 = arith.constant 0 : i32
    %scan3A_22 = arith.constant 0 : i32
    %scan3A_23 = arith.constant 8 : i32
    %scan3A_24 = arith.addi %scan3A_22, %scan3A_23 : i32
    %scan3A_25 = arith.constant 1 : i32
    scf.for %scan3A_27 = %scan3A_22 to %scan3A_24 step %scan3A_25  : i32 {
      %mul3A_28 = arith.constant 80 : i32
      %mul3A_29 = arith.muli %scan3A_27, %mul3A_28 : i32
      %add3A_30 = arith.addi %mul3A_0, %mul3A_29 : i32
      %add3A_31 = arith.constant 0 : i32
      %add3A_32 = arith.addi %add3A_30, %add3A_31 : i32
      %iota3A = tpu.iota {dimensions = array<i32: 0>} : vector<16xi32>
      %add3A_33 = vector.broadcast %add3A_32 : i32 to vector<16xi32>
      %add3A_34 = arith.addi %add3A_33, %iota3A : vector<16xi32>
      %swap3A = arith.constant 0 : i32
      %swap3A_35 = arith.index_cast %swap3A : i32 to index
      %swap3A_36 = arith.constant 0 : index
      %swap3A_37 = tpu.vector_load %arg8[%swap3A_35, %swap3A_36] {strides = array<i32>} : memref<1x80xi32, #tpu.memory_space<vmem>>, vector<1x16xi32>,
      %swap3A_38 = vector.shape_cast %swap3A_37 : vector<1x16xi32> to vector<16xi32>
      %swap3A_39 = vector.shape_cast %add3A_34 : vector<16xi32> to vector<1x16xi32>
      tpu.vector_store %arg8[%swap3A_35, %swap3A_36], %swap3A_39 {strides = array<i32>} : memref<1x80xi32, #tpu.memory_space<vmem>>, vector<1x16xi32>,
      %add3A_40 = arith.constant 16 : i32
      %add3A_41 = arith.addi %add3A_30, %add3A_40 : i32
      %iota3A_42 = tpu.iota {dimensions = array<i32: 0>} : vector<16xi32>
      %add3A_43 = vector.broadcast %add3A_41 : i32 to vector<16xi32>
      %add3A_44 = arith.addi %add3A_43, %iota3A_42 : vector<16xi32>
      %swap3A_45 = arith.constant 0 : i32
      %swap3A_46 = arith.index_cast %swap3A_45 : i32 to index
      %swap3A_47 = arith.constant 16 : index
      %swap3A_48 = tpu.vector_load %arg8[%swap3A_46, %swap3A_47] {strides = array<i32>} : memref<1x80xi32, #tpu.memory_space<vmem>>, vector<1x16xi32>,
      %swap3A_49 = vector.shape_cast %swap3A_48 : vector<1x16xi32> to vector<16xi32>
      %swap3A_50 = vector.shape_cast %add3A_44 : vector<16xi32> to vector<1x16xi32>
      tpu.vector_store %arg8[%swap3A_46, %swap3A_47], %swap3A_50 {strides = array<i32>} : memref<1x80xi32, #tpu.memory_space<vmem>>, vector<1x16xi32>,
      %add3A_51 = arith.constant 32 : i32
      %add3A_52 = arith.addi %add3A_30, %add3A_51 : i32
      %iota3A_53 = tpu.iota {dimensions = array<i32: 0>} : vector<16xi32>
      %add3A_54 = vector.broadcast %add3A_52 : i32 to vector<16xi32>
      %add3A_55 = arith.addi %add3A_54, %iota3A_53 : vector<16xi32>
      %swap3A_56 = arith.constant 0 : i32
      %swap3A_57 = arith.index_cast %swap3A_56 : i32 to index
      %swap3A_58 = arith.constant 32 : index
      %swap3A_59 = tpu.vector_load %arg8[%swap3A_57, %swap3A_58] {strides = array<i32>} : memref<1x80xi32, #tpu.memory_space<vmem>>, vector<1x16xi32>,
      %swap3A_60 = vector.shape_cast %swap3A_59 : vector<1x16xi32> to vector<16xi32>
      %swap3A_61 = vector.shape_cast %add3A_55 : vector<16xi32> to vector<1x16xi32>
      tpu.vector_store %arg8[%swap3A_57, %swap3A_58], %swap3A_61 {strides = array<i32>} : memref<1x80xi32, #tpu.memory_space<vmem>>, vector<1x16xi32>,
      %add3A_62 = arith.constant 48 : i32
      %add3A_63 = arith.addi %add3A_30, %add3A_62 : i32
      %iota3A_64 = tpu.iota {dimensions = array<i32: 0>} : vector<16xi32>
      %add3A_65 = vector.broadcast %add3A_63 : i32 to vector<16xi32>
      %add3A_66 = arith.addi %add3A_65, %iota3A_64 : vector<16xi32>
      %swap3A_67 = arith.constant 0 : i32
      %swap3A_68 = arith.index_cast %swap3A_67 : i32 to index
      %swap3A_69 = arith.constant 48 : index
      %swap3A_70 = tpu.vector_load %arg8[%swap3A_68, %swap3A_69] {strides = array<i32>} : memref<1x80xi32, #tpu.memory_space<vmem>>, vector<1x16xi32>,
      %swap3A_71 = vector.shape_cast %swap3A_70 : vector<1x16xi32> to vector<16xi32>
      %swap3A_72 = vector.shape_cast %add3A_66 : vector<16xi32> to vector<1x16xi32>
      tpu.vector_store %arg8[%swap3A_68, %swap3A_69], %swap3A_72 {strides = array<i32>} : memref<1x80xi32, #tpu.memory_space<vmem>>, vector<1x16xi32>,
      %add3A_73 = arith.constant 64 : i32
      %add3A_74 = arith.addi %add3A_30, %add3A_73 : i32
      %iota3A_75 = tpu.iota {dimensions = array<i32: 0>} : vector<16xi32>
      %add3A_76 = vector.broadcast %add3A_74 : i32 to vector<16xi32>
      %add3A_77 = arith.addi %add3A_76, %iota3A_75 : vector<16xi32>
      %swap3A_78 = arith.constant 0 : i32
      %swap3A_79 = arith.index_cast %swap3A_78 : i32 to index
      %swap3A_80 = arith.constant 64 : index
      %swap3A_81 = tpu.vector_load %arg8[%swap3A_79, %swap3A_80] {strides = array<i32>} : memref<1x80xi32, #tpu.memory_space<vmem>>, vector<1x16xi32>,
      %swap3A_82 = vector.shape_cast %swap3A_81 : vector<1x16xi32> to vector<16xi32>
      %swap3A_83 = vector.shape_cast %add3A_77 : vector<16xi32> to vector<1x16xi32>
      tpu.vector_store %arg8[%swap3A_79, %swap3A_80], %swap3A_83 {strides = array<i32>} : memref<1x80xi32, #tpu.memory_space<vmem>>, vector<1x16xi32>,
      %dma_start3A = arith.constant 0 : i32
      %dma_start3A_84 = arith.constant 0 : i32
      %dma_start3A_85 = tpu.memref_slice %arg8[%dma_start3A, %dma_start3A_84] : memref<1x80xi32, #tpu.memory_space<vmem>> -> memref<1x80xi32, #tpu.memory_space<vmem>>
      %dma_start3A_86 = tpu.memref_squeeze %dma_start3A_85 : memref<1x80xi32, #tpu.memory_space<vmem>> -> memref<80xi32, #tpu.memory_space<vmem>>
      %dma_start3A_87 = arith.constant 0 : i32
      %dma_start3A_88 = arith.constant 0 : i32
      %dma_start3A_89 = tpu.memref_slice %arg14[%dma_start3A_87, %dma_start3A_88] : memref<10240x128xf32, #tpu.memory_space<vmem_shared>> -> memref<10240x128xf32, #tpu.memory_space<vmem_shared>>
      tpu.enqueue_indirect_dma source(%dma_start3A_89 : memref<10240x128xf32, #tpu.memory_space<vmem_shared>>) target(%arg9 : memref<80x128xf32, #tpu.memory_space<vmem>>) offsets(%dma_start3A_86 : memref<80xi32, #tpu.memory_space<vmem>>) semaphore(%arg13 : memref<!tpu.dma_semaphore, #tpu.memory_space<semaphore_mem>>)
      %dma_wait3A = arith.constant 0 : i32
      %dma_wait3A_90 = arith.constant 0 : i32
      %dma_wait3A_91 = tpu.memref_slice %arg8[%dma_wait3A, %dma_wait3A_90] : memref<1x80xi32, #tpu.memory_space<vmem>> -> memref<1x80xi32, #tpu.memory_space<vmem>>
      %dma_wait3A_92 = tpu.memref_squeeze %dma_wait3A_91 : memref<1x80xi32, #tpu.memory_space<vmem>> -> memref<80xi32, #tpu.memory_space<vmem>>
      %dma_wait3A_93 = arith.constant 0 : i32
      %dma_wait3A_94 = arith.constant 0 : i32
      %dma_wait3A_95 = tpu.memref_slice %arg14[%dma_wait3A_93, %dma_wait3A_94] : memref<10240x128xf32, #tpu.memory_space<vmem_shared>> -> memref<10240x128xf32, #tpu.memory_space<vmem_shared>>
      tpu.wait_indirect_dma semaphore(%arg13 : memref<!tpu.dma_semaphore, #tpu.memory_space<semaphore_mem>>) src(%dma_wait3A_95 : memref<10240x128xf32, #tpu.memory_space<vmem_shared>>) dst(%arg9 : memref<80x128xf32, #tpu.memory_space<vmem>>)
      %mul3A_96 = arith.constant 10240 : i32
      %mul3A_97 = arith.muli %arg0, %mul3A_96 : i32
      %add3A_98 = arith.addi %mul3A_97, %mul3A_0 : i32
      %mul3A_99 = arith.constant 80 : i32
      %mul3A_100 = arith.muli %scan3A_27, %mul3A_99 : i32
      %add3A_101 = arith.addi %add3A_98, %mul3A_100 : i32
      "tpu.region"() ({
        %run_scoped3A = tpu.sem_alloc : memref<!tpu.dma_semaphore, #tpu.memory_space<semaphore_mem>>
        %dma_start3A_102 = arith.constant 0 : i32
        %dma_start3A_103 = tpu.memref_slice %arg5[%add3A_101, %dma_start3A_102] : memref<20480x128xf32, #tpu.memory_space<hbm>> -> memref<80x128xf32, #tpu.memory_space<hbm>>
        %dma_start3A_104 = arith.constant 0 : i32
        %dma_start3A_105 = tpu.memref_slice %arg5[%add3A_101, %dma_start3A_104] : memref<20480x128xf32, #tpu.memory_space<hbm>> -> memref<80x128xf32, #tpu.memory_space<hbm>>
        tpu.enqueue_dma source(%arg9 : memref<80x128xf32, #tpu.memory_space<vmem>>) target(%dma_start3A_105 : memref<80x128xf32, #tpu.memory_space<hbm>>) target_semaphore(%run_scoped3A : memref<!tpu.dma_semaphore, #tpu.memory_space<semaphore_mem>>)
        %dma_wait3A_106 = arith.constant 0 : i32
        %dma_wait3A_107 = tpu.memref_slice %arg5[%add3A_101, %dma_wait3A_106] : memref<20480x128xf32, #tpu.memory_space<hbm>> -> memref<80x128xf32, #tpu.memory_space<hbm>>
        %dma_wait3A_108 = arith.constant 0 : i32
        %dma_wait3A_109 = tpu.memref_slice %arg5[%add3A_101, %dma_wait3A_108] : memref<20480x128xf32, #tpu.memory_space<hbm>> -> memref<80x128xf32, #tpu.memory_space<hbm>>
        tpu.wait_dma2 semaphore(%run_scoped3A : memref<!tpu.dma_semaphore, #tpu.memory_space<semaphore_mem>>) src(%arg9 : memref<80x128xf32, #tpu.memory_space<vmem>>) dst(%dma_wait3A_109 : memref<80x128xf32, #tpu.memory_space<hbm>>)
        tpu.yield
      }) : () -> ()
    }
    %scan3A_26 = arith.constant 8 : i32
    return
  }
}

module attributes {stable_mosaic.version = 14 : i64} {
  func.func @_mm_body(%arg0: i32, %arg1: memref<1024x128xf32, #tpu.memory_space<vmem>>, %arg2: memref<128x128xf32, #tpu.memory_space<vmem>>, %arg3: memref<1024x16xf32, #tpu.memory_space<vmem>>, %arg4: memref<1024x16xf32, #tpu.memory_space<vmem>>, %arg5: memref<1024x128xf32, #tpu.memory_space<vmem>>) attributes {dimension_semantics = [#tpu.dimension_semantics<arbitrary>], iteration_bounds = array<i64: 10>, scalar_prefetch = 0 : i64, scratch_operands = 0 : i64, tpu.core_type = #tpu.core_type<tc>, window_params = [{transform_indices = @transform_0, window_bounds = array<i64: 1024, 128>}, {pipeline_mode = #tpu.pipeline_mode<synchronous>, transform_indices = @transform_1, window_bounds = array<i64: 128, 128>}, {transform_indices = @transform_2, window_bounds = array<i64: 1024, 16>}, {transform_indices = @transform_3, window_bounds = array<i64: 1024, 16>}, {transform_indices = @transform_4, window_bounds = array<i64: 1024, 128>}]} {
    %get3A = arith.constant 0 : index
    %get3A_0 = arith.constant 0 : index
    %get3A_1 = vector.load %arg3[%get3A, %get3A_0] : memref<1024x16xf32, #tpu.memory_space<vmem>>, vector<1024x1xf32>
    %add3A = arith.constant 1.000000e+00 : f32
    %add3A_2 = vector.broadcast %add3A : f32 to vector<1024x1xf32>
    %add3A_3 = arith.addf %add3A_2, %get3A_1 : vector<1024x1xf32>
    %get3A_4 = arith.constant 0 : index
    %get3A_5 = arith.constant 0 : index
    %get3A_6 = vector.load %arg4[%get3A_4, %get3A_5] : memref<1024x16xf32, #tpu.memory_space<vmem>>, vector<1024x1xf32>
    %add3A_7 = arith.addf %add3A_3, %get3A_6 : vector<1024x1xf32>
    %get3A_8 = arith.constant 0 : index
    %get3A_9 = arith.constant 0 : index
    %get3A_10 = vector.load %arg1[%get3A_8, %get3A_9] : memref<1024x128xf32, #tpu.memory_space<vmem>>, vector<1024x128xf32>
    %get3A_11 = arith.constant 0 : index
    %get3A_12 = arith.constant 0 : index
    %get3A_13 = vector.load %arg2[%get3A_11, %get3A_12] : memref<128x128xf32, #tpu.memory_space<vmem>>, vector<128x128xf32>
    %dot_general3A = arith.constant dense<0.000000e+00> : vector<1024x128xf32>
    %dot_general3A_14 = tpu.matmul %get3A_10, %get3A_13, %dot_general3A {dimension_numbers = #tpu.dot_dimension_numbers<[1], [0], [0], [1], [0, 0, 1, 1], [], []>, transpose_lhs_hint = false} : vector<1024x128xf32>, vector<128x128xf32>, vector<1024x128xf32> -> vector<1024x128xf32>
    %rsqrt3A = math.rsqrt %add3A_7 : vector<1024x1xf32>
    %mul3A = vector.broadcast %rsqrt3A : vector<1024x1xf32> to vector<1024x128xf32>
    %mul3A_15 = arith.mulf %dot_general3A_14, %mul3A : vector<1024x128xf32>
    %swap3A = arith.constant 0 : index
    %swap3A_16 = arith.constant 0 : index
    %swap3A_17 = vector.load %arg5[%swap3A, %swap3A_16] : memref<1024x128xf32, #tpu.memory_space<vmem>>, vector<1024x128xf32>
    tpu.vector_store %arg5[%swap3A, %swap3A_16], %mul3A_15 {strides = array<i32>} : memref<1024x128xf32, #tpu.memory_space<vmem>>, vector<1024x128xf32>,
    return
  }
  func.func @transform_0(%arg0: i32) -> (i32, i32) {
    %c0_i32 = arith.constant 0 : i32
    %c0_i32_0 = arith.constant 0 : i32
    return %arg0, %c0_i32 : i32, i32
  }
  func.func @transform_1(%arg0: i32) -> (i32, i32) {
    %c0_i32 = arith.constant 0 : i32
    %c0_i32_0 = arith.constant 0 : i32
    %c0_i32_1 = arith.constant 0 : i32
    return %c0_i32, %c0_i32_0 : i32, i32
  }
  func.func @transform_2(%arg0: i32) -> (i32, i32) {
    %c0_i32 = arith.constant 0 : i32
    %c0_i32_0 = arith.constant 0 : i32
    return %arg0, %c0_i32 : i32, i32
  }
  func.func @transform_3(%arg0: i32) -> (i32, i32) {
    %c0_i32 = arith.constant 0 : i32
    %c0_i32_0 = arith.constant 0 : i32
    return %arg0, %c0_i32 : i32, i32
  }
  func.func @transform_4(%arg0: i32) -> (i32, i32) {
    %c0_i32 = arith.constant 0 : i32
    %c0_i32_0 = arith.constant 0 : i32
    return %arg0, %c0_i32 : i32, i32
  }
}

module attributes {stable_mosaic.version = 14 : i64} {
  func.func @_fin_body(%arg0: i32, %arg1: memref<1024x128xf32, #tpu.memory_space<vmem>>, %arg2: memref<1024x128xf32, #tpu.memory_space<vmem>>, %arg3: memref<1024x128xf32, #tpu.memory_space<vmem>>, %arg4: memref<1024x16xf32, #tpu.memory_space<vmem>>, %arg5: memref<1024x16xf32, #tpu.memory_space<vmem>>, %arg6: memref<1x128xf32, #tpu.memory_space<vmem>>, %arg7: memref<1024x128xf32, #tpu.memory_space<vmem>>) attributes {dimension_semantics = [#tpu.dimension_semantics<arbitrary>], iteration_bounds = array<i64: 10>, scalar_prefetch = 0 : i64, scratch_operands = 0 : i64, tpu.core_type = #tpu.core_type<tc>, window_params = [{transform_indices = @transform_0, window_bounds = array<i64: 1024, 128>}, {transform_indices = @transform_1, window_bounds = array<i64: 1024, 128>}, {transform_indices = @transform_2, window_bounds = array<i64: 1024, 128>}, {transform_indices = @transform_3, window_bounds = array<i64: 1024, 16>}, {transform_indices = @transform_4, window_bounds = array<i64: 1024, 16>}, {pipeline_mode = #tpu.pipeline_mode<synchronous>, transform_indices = @transform_5, window_bounds = array<i64: 1, 128>}, {transform_indices = @transform_6, window_bounds = array<i64: 1024, 128>}]} {
    %get3A = arith.constant 0 : index
    %get3A_0 = arith.constant 0 : index
    %get3A_1 = vector.load %arg4[%get3A, %get3A_0] : memref<1024x16xf32, #tpu.memory_space<vmem>>, vector<1024x1xf32>
    %add3A = arith.constant 1.000000e+00 : f32
    %add3A_2 = vector.broadcast %add3A : f32 to vector<1024x1xf32>
    %add3A_3 = arith.addf %add3A_2, %get3A_1 : vector<1024x1xf32>
    %get3A_4 = arith.constant 0 : index
    %get3A_5 = arith.constant 0 : index
    %get3A_6 = vector.load %arg5[%get3A_4, %get3A_5] : memref<1024x16xf32, #tpu.memory_space<vmem>>, vector<1024x1xf32>
    %add3A_7 = arith.addf %add3A_3, %get3A_6 : vector<1024x1xf32>
    %get3A_8 = arith.constant 0 : index
    %get3A_9 = arith.constant 0 : index
    %get3A_10 = vector.load %arg1[%get3A_8, %get3A_9] : memref<1024x128xf32, #tpu.memory_space<vmem>>, vector<1024x128xf32>
    %get3A_11 = arith.constant 0 : index
    %get3A_12 = arith.constant 0 : index
    %get3A_13 = vector.load %arg2[%get3A_11, %get3A_12] : memref<1024x128xf32, #tpu.memory_space<vmem>>, vector<1024x128xf32>
    %add3A_14 = arith.addf %get3A_10, %get3A_13 : vector<1024x128xf32>
    %get3A_15 = arith.constant 0 : index
    %get3A_16 = arith.constant 0 : index
    %get3A_17 = vector.load %arg3[%get3A_15, %get3A_16] : memref<1024x128xf32, #tpu.memory_space<vmem>>, vector<1024x128xf32>
    %add3A_18 = arith.addf %add3A_14, %get3A_17 : vector<1024x128xf32>
    %rsqrt3A = math.rsqrt %add3A_7 : vector<1024x1xf32>
    %mul3A = vector.broadcast %rsqrt3A : vector<1024x1xf32> to vector<1024x128xf32>
    %mul3A_19 = arith.mulf %add3A_18, %mul3A : vector<1024x128xf32>
    %get3A_20 = arith.constant 0 : index
    %get3A_21 = arith.constant 0 : index
    %get3A_22 = vector.load %arg6[%get3A_20, %get3A_21] : memref<1x128xf32, #tpu.memory_space<vmem>>, vector<1x128xf32>
    %add3A_23 = vector.broadcast %get3A_22 : vector<1x128xf32> to vector<1024x128xf32>
    %add3A_24 = arith.addf %mul3A_19, %add3A_23 : vector<1024x128xf32>
    %swap3A = arith.constant 0 : index
    %swap3A_25 = arith.constant 0 : index
    %swap3A_26 = vector.load %arg7[%swap3A, %swap3A_25] : memref<1024x128xf32, #tpu.memory_space<vmem>>, vector<1024x128xf32>
    tpu.vector_store %arg7[%swap3A, %swap3A_25], %add3A_24 {strides = array<i32>} : memref<1024x128xf32, #tpu.memory_space<vmem>>, vector<1024x128xf32>,
    return
  }
  func.func @transform_0(%arg0: i32) -> (i32, i32) {
    %c0_i32 = arith.constant 0 : i32
    %c0_i32_0 = arith.constant 0 : i32
    return %arg0, %c0_i32 : i32, i32
  }
  func.func @transform_1(%arg0: i32) -> (i32, i32) {
    %c0_i32 = arith.constant 0 : i32
    %c0_i32_0 = arith.constant 0 : i32
    return %arg0, %c0_i32 : i32, i32
  }
  func.func @transform_2(%arg0: i32) -> (i32, i32) {
    %c0_i32 = arith.constant 0 : i32
    %c0_i32_0 = arith.constant 0 : i32
    return %arg0, %c0_i32 : i32, i32
  }
  func.func @transform_3(%arg0: i32) -> (i32, i32) {
    %c0_i32 = arith.constant 0 : i32
    %c0_i32_0 = arith.constant 0 : i32
    return %arg0, %c0_i32 : i32, i32
  }
  func.func @transform_4(%arg0: i32) -> (i32, i32) {
    %c0_i32 = arith.constant 0 : i32
    %c0_i32_0 = arith.constant 0 : i32
    return %arg0, %c0_i32 : i32, i32
  }
  func.func @transform_5(%arg0: i32) -> (i32, i32) {
    %c0_i32 = arith.constant 0 : i32
    %c0_i32_0 = arith.constant 0 : i32
    %c0_i32_1 = arith.constant 0 : i32
    return %c0_i32, %c0_i32_0 : i32, i32
  }
  func.func @transform_6(%arg0: i32) -> (i32, i32) {
    %c0_i32 = arith.constant 0 : i32
    %c0_i32_0 = arith.constant 0 : i32
    return %arg0, %c0_i32 : i32, i32
  }
}

</mosaic_0001>

<sc_bundles>
// kernel: kernel.6.cloned.1.call-start
scs
__scs_entry_jumppad:
0x0: {  	(pc) =	sbr.rel $0x88, $3  }
0x1: {  	(tag) =	ssettag $0x0;
	lr =	simm.s32 $0x1  }
0x2: {  	[smem:$0x3F9D] =	sst lr;
	_ =	strace $0xD0000000  }
0x3: {  	_ = 	snop  }
0x4: {  	_ = 	snop  }
0x5: {  	_ = 	snop  }
0x6: {  	_ = 	snop  }
0x7: {  	_ = 	snop  }
__scs_overlays_trampoline_lowered:
0x8: {  	[smem:$0x3FAC] =	sst s0  }
0x9: {  	[smem:$0x3FAD] =	sst s1  }
0xa: {  	[smem:$0x3FAE] =	sst s2  }
0xb: {  	[smem:$0x3FAF] =	sst s3  }
0xc: {  	[smem:$0x3FB0] =	sst s4  }
0xd: {  	[smem:$0x3FB1] =	sst s5  }
0xe: {  	[smem:$0x3FB2] =	sst s6  }
0xf: {  	[smem:$0x3FB3] =	sst s7  }
0x10: {  	[smem:$0x3FB4] =	sst s8  }
0x11: {  	[smem:$0x3FB5] =	sst s9;
	s0 =	simm.s32 @!p0 $0x0  }
0x12: {  	s1 =	sld [smem:$0x3F9B];
	s0 =	simm.s32 @p0 $0x1  }
0x13: {  	[smem:$0x3FB6] =	sst s0;
	s0 =	simm.s32 @!p1 $0x0  }
0x14: {  	s2 =	sld [smem:$0x3F9A];
	s0 =	simm.s32 @p1 $0x1  }
0x15: {  	[smem:$0x3FB7] =	sst s0;
	s0 =	simm.s32 @!p2 $0x0  }
0x16: {  	s3 =	sld [smem:$0x3FDB];
	s0 =	simm.s32 @p2 $0x1  }
0x17: {  	s4 =	simm.s32 $0x1BF5;
	[smem:$0x3FB9] =	sst s0  }
0x18: {  	s0 =	sld [smem:$0x3F9C];
	_ =	swait.ge [sflag:s4], $0x0  }
0x19: {  	s7 =	sld [smem:$0x3F9D]  }
0x1a: {  	s8 =	sadd.s32 $0xFFFFE003, lr  }
0x1b: {  	s9 =	sadd.s32 $0xFFFFFEF7, lr;
	s5 =	simm.s32 $0xFFFFFFFF;
	p2 =	slt.u32 s8, $0xFFFFF086  }
0x1c: {  	p1 =	slt.u32 s9, $0xF7A;
	s5 =	simm.s32 @!p2 $0x0  }
0x1d: {  	s5 =	simm.s32 @p1 $0x1;
	p0 =	seq.s32 s7, s2  }
0x1e: {  	s7 =	smul.u32 @!p0 $0xF7A, s2;
	p2 =	seq.s32 @!p0 s5, $0x0  }
0x1f: {  	s9 =	smul.u32 $0xF7A, s1;
	s8 =	simm.s32 @!p0 $0x1BF5;
	p2 =	por !p2, p0  }
0x20: {  	[sflag:s8] =	ssyncset.s32 @!p0 $0xFFFFF086;
	s6 =	sadd.s32 @!p0 s3, s7;
	s7 =	simm.s32 @!p0 $0x108  }
0x21: {  	s3 =	sadd.s32 s3, s9;
	s6 =	sadd.s32 @!p0 $0x88, s6;
	s7 =	simm.s32 @p2 $0x1082  }
0x22: {  	[simem:s7], [sflag:s8] =	dma.local @!p0 [hbm:s6], $0xF7A  }
0x23: {  	s9 =	sor.u32 $0xD0000000, s2;
	s6 =	simm.s32 $0x108;
	_ =	swait.ge @!p0 [sflag:s8], $0x0  }
0x24: {  	s3 =	sadd.s32 $0x88, s3;
	s6 =	simm.s32 @!p1 $0x1082;
	[sflag:s4] =	ssyncset.s32 $0xFFFFF086  }
0x25: {  	[simem:s6], [sflag:s4] =	dma.local [hbm:s3], $0xF7A  }
0x26: {  	[smem:$0x3F9D] =	sst s1;
	(tag) =	ssettag s2;
	_ =	strace s9  }
0x27: {  	s1 =	sld [smem:$0x3FAD]  }
0x28: {  	s2 =	sld [smem:$0x3FAE]  }
0x29: {  	s4 =	sld [smem:$0x3FB0]  }
0x2a: {  	p0 =	seq.s32 s5, $0x0;
	s5 =	sld [smem:$0x3FB1]  }
0x2b: {  	s6 =	sld [smem:$0x3FB2]  }
0x2c: {  	s7 =	sld [smem:$0x3FB3]  }
0x2d: {  	s3 =	simm.s32 $0x108;
	s8 =	sld [smem:$0x3FB4]  }
0x2e: {  	s3 =	simm.s32 @!p0 $0x1082;
	s9 =	sld [smem:$0x3FB5]  }
0x2f: {  	lr =	sadd.s32 s0, s3;
	s0 =	sld [smem:$0x3FAC]  }
0x30: {  	s3 =	sld [smem:$0x3FAF]  }
0x31: {  	[smem:$0x3FB8] =	sst s10  }
0x32: {  	s10 =	sld [smem:$0x3FB6];
	_ =	sdelay $0x3  }
0x33: {  	p0 =	seq.s32 s10, $0x1;
	s10 =	sld [smem:$0x3FB8];
	_ =	sdelay $0x3  }
0x34: {  	[smem:$0x3FB8] =	sst s10  }
0x35: {  	s10 =	sld [smem:$0x3FB7];
	_ =	sdelay $0x3  }
0x36: {  	p1 =	seq.s32 s10, $0x1;
	s10 =	sld [smem:$0x3FB8];
	_ =	sdelay $0x3  }
0x37: {  	[smem:$0x3FB8] =	sst s10  }
0x38: {  	s10 =	sld [smem:$0x3FB9]  }
0x39: {  	_ = 	snop;
	(pc) =	sbr.ind lr, $3  }
0x3a: {  	_ = 	snop  }
0x3b: {  	_ = 	snop  }
0x3c: {  	p2 =	seq.s32 s10, $0x1;
	s10 =	sld [smem:$0x3FB8]  }
0x3d: {  	_ =	shalt  }
0x3e: {  	_ =	shalt  }
0x3f: {  	_ =	shalt  }
0x40: {  	_ =	shalt  }
0x41: {  	_ =	shalt  }
0x42: {  	_ =	shalt  }
0x43: {  	_ =	shalt  }
0x44: {  	_ =	shalt  }
0x45: {  	_ =	shalt  }
0x46: {  	_ =	shalt  }
0x47: {  	_ =	shalt  }
0x48: {  	_ =	shalt  }
0x49: {  	_ =	shalt  }
0x4a: {  	_ =	shalt  }
0x4b: {  	_ =	shalt  }
0x4c: {  	_ =	shalt  }
0x4d: {  	_ =	shalt  }
0x4e: {  	_ =	shalt  }
0x4f: {  	_ =	shalt  }
0x50: {  	_ =	shalt  }
0x51: {  	_ =	shalt  }
0x52: {  	_ =	shalt  }
0x53: {  	_ =	shalt  }
0x54: {  	_ =	shalt  }
0x55: {  	_ =	shalt  }
0x56: {  	_ =	shalt  }
0x57: {  	_ =	shalt  }
0x58: {  	_ =	shalt  }
0x59: {  	_ =	shalt  }
0x5a: {  	_ =	shalt  }
0x5b: {  	_ =	shalt  }
0x5c: {  	_ =	shalt  }
0x5d: {  	_ =	shalt  }
0x5e: {  	_ =	shalt  }
0x5f: {  	_ =	shalt  }
0x60: {  	_ =	shalt  }
0x61: {  	_ =	shalt  }
0x62: {  	_ =	shalt  }
0x63: {  	_ =	shalt  }
0x64: {  	_ =	shalt  }
0x65: {  	_ =	shalt  }
0x66: {  	_ =	shalt  }
0x67: {  	_ =	shalt  }
0x68: {  	_ =	shalt  }
0x69: {  	_ =	shalt  }
0x6a: {  	_ =	shalt  }
0x6b: {  	_ =	shalt  }
0x6c: {  	_ =	shalt  }
0x6d: {  	_ =	shalt  }
0x6e: {  	_ =	shalt  }
0x6f: {  	_ =	shalt  }
0x70: {  	_ =	shalt  }
0x71: {  	_ =	shalt  }
0x72: {  	_ =	shalt  }
0x73: {  	_ =	shalt  }
0x74: {  	_ =	shalt  }
0x75: {  	_ =	shalt  }
0x76: {  	_ =	shalt  }
0x77: {  	_ =	shalt  }
0x78: {  	_ =	shalt  }
0x79: {  	_ =	shalt  }
0x7a: {  	_ =	shalt  }
0x7b: {  	_ =	shalt  }
0x7c: {  	_ =	shalt  }
0x7d: {  	_ =	shalt  }
0x7e: {  	_ =	shalt  }
0x7f: {  	_ =	shalt  }
0x80: {  	_ =	shalt  }
0x81: {  	_ =	shalt  }
0x82: {  	_ =	shalt  }
0x83: {  	_ =	shalt  }
0x84: {  	_ =	shalt  }
0x85: {  	_ =	shalt  }
0x86: {  	_ =	shalt  }
0x87: {  	_ =	shalt  }
.Lfunc_end0:
.L_simem_size_0:
called_computation_lowered:
.L_overlay_start_0:
0x88: {  	s2 =	sld [smem:$0x3FD9]  }
0x89: {  	s3 =	sld [smem:$0x3FFE];
	_ =	sdelay $0x1  }
0x8a: {  	s1 =	srdreg.scid  }
0x8b: {  	s0 =	sand.u32 $0x1, s1  }
0x8c: {  	s16 =	sshll.u32 s0, $0xA;
	s2 =	sadd.s32 s3, s2  }
0x8d: {  	s2 =	sadd.s32 s2, s16  }
0x8e: {  	[smem:$0x3FC4] =	sst s2  }
0x8f: {  	_ = 	snop  }
0x90: {  	(tm) =	ssettm $0x1  }
0x91: {  	s17 =	sld [smem:$0x3FFB];
	_ =	sdelay $0x3  }
0x92: {  	_ =	strace s17  }
0x93: {  	s2 =	sld [smem:$0x3FFC];
	_ =	sdelay $0x3  }
0x94: {  	_ =	strace s2  }
0x95: {  	s2 =	sld [smem:$0x3FFD];
	_ =	sdelay $0x3  }
0x96: {  	_ =	strace s2  }
0x97: {  	_ =	strace $0x8FFFFFFF  }
0x98: {  	s18 =	sld [smem:$0x3FDB];
	_ =	sdelay $0x1  }
0x99: {  	s19 =	simm.s32 $_scs_section_size  }
0x9a: {  	s4 =	simm.s32 $_size__tile_overlayer_lowered;
	s5 =	simm.s32 $_tile_overlayer_lowered  }
0x9b: {  	s22 =	simm.s32 $0x1BFF;
	s21 =	sshll.u32 s5, $0x1;
	s2 =	sadd.s32 s19, s18  }
0x9c: {  	s6 =	simm.s32 $0x0;
	s20 =	sshll.u32 s4, $0x1;
	s4 =	sadd.s32 s21, s2  }
0x9d: {  	[timem:s6], [sflag:s22] =	dma.local [hbm:s4], s20  }
0x9e: {  	_ =	swait.ge [sflag:s22], s20  }
0x9f: {  	s3 =	ssub.s32 $0x0, s20;
	[sflag:s22] =	ssyncset.done $0x0  }
0xa0: {  	[sflag:s22] =	ssyncadd.s32 s3;
	_ =	sdelay $0x1  }
0xa1: {  	s23 =	simm.s32 $0x1B8B  }
0xa2: {  	_ =	swait.ge [sflag:s23], $0x1  }
0xa3: {  	[sflag:s23] =	ssyncset.done $0x0  }
0xa4: {  	s25 =	simm.s32 $0x1B8E;
	s24 =	sld [smem:$0x3FFE];
	[sflag:s23] =	ssyncadd.s32 $0xFFFFFFFF  }
0xa5: {  	s26 =	simm.s32 $execute0_lowered;
	[smem:$0x3FD2] =	sst s25  }
0xa6: {  	s4 =	sshll.u32 s26, $0x1;
	_ =	strace $0x80000046;
	[dreg:$0x1] =	wrdreg $0xFFFFFFFF  }
0xa7: {  	s28 =	simm.s32 $_size_execute0_lowered;
	s2 =	sadd.s32 s2, s4;
	[dreg:$0x0] =	wrdreg $0x0  }
0xa8: {  	s4 =	sshll.u32 s28, $0x1;
	[dreg:$0x2] =	wrdreg s2  }
0xa9: {  	[dreg:$0x3] =	wrdreg s4  }
0xaa: {  	[dreg:$0x4] =	wrdreg $0xC0  }
0xab: {  	_ =	task [dreg:s6], $0x5FFFF  }
0xac: {  	[dreg:$0x1] =	wrdreg $0xFFFFFFFF  }
0xad: {  	[dreg:$0x0] =	wrdreg $0x60  }
0xae: {  	[dreg:$0x2] =	wrdreg s24  }
0xaf: {  	[dreg:$0x3] =	wrdreg $0x60800  }
0xb0: {  	[dreg:$0x4] =	wrdreg $0x9  }
0xb1: {  	_ =	task.clear_ibuf [dreg:s6], $0x5FFFF;
	_ =	strace $0x90000046  }
0xb2: {  	s29 =	simm.s32 $0x9;
	_ =	strace $0x80000048  }
0xb3: {  	_ =	swait.ge [sflag:s29], $0x1  }
0xb4: {  	[sflag:s29] =	ssyncadd.s32 $0xFFFFFFFF  }
0xb5: {  	_ =	strace $0x90000048  }
0xb6: {  	_ =	sfence  }
0xb7: {  	s30 =	sld [smem:$0x0];
	_ =	sdelay $0x2  }
0xb8: {  	s31 =	sshll.u32 s1, $0xD;
	s1 =	sshrl.u32 s1, $0x2  }
0xb9: {  	s3 =	sand.u32 $0x4000, s31;
	s1 =	sadd.s32 s1, s30  }
0xba: {  	s0 =	sor.u32 s3, s0;
	s1 =	sshll.u32 s1, $0x11  }
0xbb: {  	s0 =	sor.u32 s1, s0  }
0xbc: {  	s0 =	sadd.s32 $0x8F2B, s0  }
0xbd: {  	[sflag:s0] =	ssyncadd.remote.s32 $0x1  }
0xbe: {  	_ =	sfence.sel $0xFFFF  }
0xbf: {  	[dreg:$0x0] =	wrdreg $0xFFFFFFFF;
	(pc) =	sbr.abs _section_cstart, $3  }
0xc0: {  	[dreg:$0x1] =	wrdreg $0xFFFFFFFF  }
0xc1: {  	_ =	task.clear_ibuf [dreg:s6], $0x2FFFF;
	_ =	strace $0x9FFFFFFF  }
0xc2: {  	(tm) =	ssettm $0x7FFFFFFF  }
0xc3: {  	_ =	shalt  }
tec
execute0_lowered:
.L_overlay_start_1:
0x0: {  	(tag) =	ssettag $0x1  }
0x1: {  	s5 =	rddreg [dreg:$0x0]  }
0x2: {  	s0 =	srdreg.scid;
	s2 =	rddreg [dreg:$0x1]  }
0x3: {  	s1 =	stileid.u32;
	s3 =	simm.s32 $0x0;
	s13 =	simm.s32 $0x1080  }
0x4: {  	s14 =	simm.s32 $0x2;
	s15 =	simm.s32 $0x80;
	s16 =	simm.s32 $0x3880  }
0x5: {  	s17 =	simm.s32 $0x1;
	s18 =	simm.s32 $0x0;
	s4 =	sand.u32 $0x1, s0  }
0x6: {  	s0 =	rddreg [dreg:$0x2];
	s12 =	smul.u32 $0x2800, s1;
	s6 =	sshll.u32 s4, $0x4  }
0x7: {  	[smem:$0x7FF] =	sst s3;
	s7 =	smul.u32 $0x28000, s4;
	s6 =	sor.u32 s1, s6  }
0x8: {  	_ =	strace $0x80000047;
	s8 =	ssub.s32 $0x2, s4;
	s6 =	smul.u32 $0x5000, s6  }
0x9: {  	s4 =	smul.u32 $0x280, s1;
	s30 =	sshrl.u32 s8, $0x1;
	s11 =	sadd.s32 s7, s5  }
0xa: {  	s31 =	ssub.s32 s8, s30;
	s11 =	sadd.s32 s12, s11;
	s6 =	sshrl.u32 s6, $0x3  }
0xb: {  	s12 =	simm.s32 $0x50;
	s11 =	sadd.s32 $0x15600, s11;
	s10 =	sadd.s32 s6, s5  }
0xc: {  	s5 =	smax.u32 s31, $0x1;
	s6 =	sadd.s32 $0x1600, s10;
	s7 =	sadd.s32 $0x1800, s10  }
0xd: {  	v0 =	vimm.f32 $0.0e+00;
	v1 =	vlaneseq.u32;
	v2 =	vimm.f32 $1.000000000e+00;
	s8 =	sadd.s32 $0x1A00, s10;
	s9 =	sadd.s32 $0x1C00, s10;
	s10 =	sadd.s32 $0x1E00, s10  }
.LBB2_1:
0xe: {  	s19 =	simm.s32 $0x200;
	s20 =	simm.s32 $0x0  }
.LBB2_2:
0xf: {  	p0 =	sne.s32 s19, $0x9E00;
	[tilespmem:s20+$0x1080] =	vst v0;
	s20 =	smov.u32 s19;
	s19 =	sadd.s32 $0x200, s19  }
.Ltmp0:
0x10: {  	(pc) =	sbr.rel @p0 .LBB2_2-.Ltmp0, $2  }
0x11: {  	_ =	sdelay $0x2  }
0x12: {  	s20 =	sshra.s32 s20, $0x2  }
0x13: {  	s21 =	sadd.s32 $0x0, s4  }
0x14: {  	[tilespmem:s20+$0x1080] =	vst v0;
	v3 =	vor.u32 s21, v1;
	s19 =	sadd.s32 $0x40, s21  }
0x15: {  	s31 =	sadd.s32 $0x30, s21;
	[tilespmem:$0x0] =	vst v3;
	v3 =	vor.u32 s19, v1  }
0x16: {  	s22 =	sadd.s32 $0x20, s21;
	v4 =	vor.u32 s31, v1;
	[tilespmem:$0x40] =	vst v3  }
0x17: {  	s20 =	simm.s32 $0x50;
	s21 =	sadd.s32 $0x10, s21;
	s19 =	simm.s32 $0x0;
	v3 =	vor.u32 s22, v1;
	[tilespmem:$0x30] =	vst v4  }
.LBB2_4:
0x18: {  	p0 =	sne.s32 s20, $0x230;
	v4 =	vor.u32 s21, v1;
	[tilespmem:$0x20] =	vst v3  }
0x19: {  	[tilespmem:$0x10] =	vst v4;
	[spmem:s2] =	stream.indirect.scatter [tilespmem:s13], [sflag:$0x2], $0x10, s19, s12, $0xb8  }
0x1a: {  	_ =	swait.ge [sflag:s14], $0x500  }
.Ltmp1:
0x1b: {  	s21 =	sadd.s32 s20, s4;
	[sflag:s14] =	ssyncset.done $0x0;
	(pc) =	sbr.rel @p0 .LBB2_4-.Ltmp1, $4  }
0x1c: {  	v3 =	vor.u32 s21, v1;
	s22 =	sadd.s32 $0x40, s21;
	[sflag:s14] =	ssyncadd.s32 $0xFFFFFB00  }
0x1d: {  	s23 =	sadd.s32 $0x30, s21;
	[tilespmem:$0x0] =	vst v3;
	v3 =	vor.u32 s22, v1  }
0x1e: {  	v4 =	vor.u32 s23, v1;
	s22 =	sadd.s32 $0x20, s21;
	[tilespmem:$0x40] =	vst v3  }
0x1f: {  	s20 =	sadd.s32 $0x50, s20;
	s21 =	sadd.s32 $0x10, s21;
	v3 =	vor.u32 s22, v1;
	[tilespmem:$0x30] =	vst v4  }
0x20: {  	v4 =	vor.u32 s21, v1;
	[tilespmem:$0x20] =	vst v3  }
0x21: {  	[tilespmem:$0x10] =	vst v4  }
0x22: {  	[spmem:s2] =	stream.indirect.scatter [tilespmem:s13], [sflag:$0x2], $0x10, s19, s12, $0xb8;
	[tilespmem:$0x8880] =	vst v63  }
0x23: {  	_ =	swait.ge [sflag:s14], $0x500  }
0x24: {  	[sflag:s14] =	ssyncset.done $0x0  }
0x25: {  	s20 =	simm.s32 $0x0;
	s19 =	simm.s32 $0x200;
	[sflag:s14] =	ssyncadd.s32 $0xFFFFFB00  }
.LBB2_6:
0x26: {  	p0 =	sne.s32 s19, $0x9E00;
	[tilespmem:s20+$0x1080] =	vst v2;
	s20 =	smov.u32 s19;
	s19 =	sadd.s32 $0x200, s19  }
.Ltmp2:
0x27: {  	(pc) =	sbr.rel @p0 .LBB2_6-.Ltmp2, $2  }
0x28: {  	_ =	sdelay $0x2  }
0x29: {  	s20 =	sshra.s32 s20, $0x2  }
0x2a: {  	[tilespmem:s20+$0x1080] =	vst v2  }
0x2b: {  	s19 =	simm.s32 $0x0;
	[bflag:$0x0] =	sbarrier.arrive $0xFFFF  }
0x2c: {  	[tilespmem:s15], [sflag:$0x2] =	stream.linear.gather [hbm4b:s6+s19], $0xC80, $0x38;
	[tilespmem:$0x8880] =	vst v63  }
0x2d: {  	_ =	swait.ge [sflag:s14], $0xC80  }
0x2e: {  	[sflag:s14] =	ssyncset.done $0x0  }
0x2f: {  	s31 =	simm.s32 $0x80;
	[sflag:s14] =	ssyncadd.s32 $0xFFFFF380  }
0x30: {  	[spmem:s2] =	stream.indirect.scatter.add.f32 [tilespmem:s13], [sflag:$0x2], $0x10, s31, s12, $0xb8;
	[tilespmem:$0x8880] =	vst v63  }
0x31: {  	s19 =	simm.s32 $0x200;
	_ =	swait.ge [sflag:s14], $0x500  }
.LBB2_8:
0x32: {  	s20 =	sshra.s32 s19, $0x2;
	[sflag:s14] =	ssyncset.done $0x0;
	p0 =	sne.s32 s19, $0x3000  }
.Ltmp3:
0x33: {  	s20 =	sadd.s32 $0x80, s20;
	[sflag:s14] =	ssyncadd.s32 $0xFFFFFB00;
	(pc) =	sbr.rel @p0 .LBB2_8-.Ltmp3, $3  }
0x34: {  	[spmem:s2] =	stream.indirect.scatter.add.f32 [tilespmem:s13], [sflag:$0x2], $0x10, s20, s12, $0xb8;
	[tilespmem:$0x8880] =	vst v63  }
0x35: {  	s19 =	sadd.s32 $0x200, s19;
	_ =	sdelay $0x1  }
0x36: {  	_ =	swait.ge [sflag:s14], $0x500  }
0x37: {  	[sflag:s14] =	ssyncset.done $0x0  }
0x38: {  	s19 =	simm.s32 $0x0;
	[sflag:s14] =	ssyncadd.s32 $0xFFFFFB00  }
0x39: {  	[tilespmem:s15], [sflag:$0x2] =	stream.linear.gather [hbm4b:s7+s19], $0xC80, $0x38;
	[tilespmem:$0x8880] =	vst v63  }
0x3a: {  	_ =	swait.ge [sflag:s14], $0xC80  }
0x3b: {  	[sflag:s14] =	ssyncset.done $0x0  }
0x3c: {  	s31 =	simm.s32 $0x80;
	[sflag:s14] =	ssyncadd.s32 $0xFFFFF380  }
0x3d: {  	[spmem:s2] =	stream.indirect.scatter.add.f32 [tilespmem:s13], [sflag:$0x2], $0x10, s31, s12, $0xb8;
	[tilespmem:$0x8880] =	vst v63  }
0x3e: {  	s19 =	simm.s32 $0x200;
	_ =	swait.ge [sflag:s14], $0x500  }
.LBB2_10:
0x3f: {  	s20 =	sshra.s32 s19, $0x2;
	[sflag:s14] =	ssyncset.done $0x0;
	p0 =	sne.s32 s19, $0x3000  }
.Ltmp4:
0x40: {  	s20 =	sadd.s32 $0x80, s20;
	[sflag:s14] =	ssyncadd.s32 $0xFFFFFB00;
	(pc) =	sbr.rel @p0 .LBB2_10-.Ltmp4, $3  }
0x41: {  	[spmem:s2] =	stream.indirect.scatter.add.f32 [tilespmem:s13], [sflag:$0x2], $0x10, s20, s12, $0xb8;
	[tilespmem:$0x8880] =	vst v63  }
0x42: {  	s19 =	sadd.s32 $0x200, s19;
	_ =	sdelay $0x1  }
0x43: {  	_ =	swait.ge [sflag:s14], $0x500  }
0x44: {  	[sflag:s14] =	ssyncset.done $0x0  }
0x45: {  	s19 =	simm.s32 $0x0;
	[sflag:s14] =	ssyncadd.s32 $0xFFFFFB00  }
0x46: {  	[tilespmem:s15], [sflag:$0x2] =	stream.linear.gather [hbm4b:s8+s19], $0xC80, $0x38;
	[tilespmem:$0x8880] =	vst v63  }
0x47: {  	_ =	swait.ge [sflag:s14], $0xC80  }
0x48: {  	[sflag:s14] =	ssyncset.done $0x0  }
0x49: {  	s31 =	simm.s32 $0x80;
	[sflag:s14] =	ssyncadd.s32 $0xFFFFF380  }
0x4a: {  	[spmem:s2] =	stream.indirect.scatter.add.f32 [tilespmem:s13], [sflag:$0x2], $0x10, s31, s12, $0xb8;
	[tilespmem:$0x8880] =	vst v63  }
0x4b: {  	s19 =	simm.s32 $0x200;
	_ =	swait.ge [sflag:s14], $0x500  }
.LBB2_12:
0x4c: {  	s20 =	sshra.s32 s19, $0x2;
	[sflag:s14] =	ssyncset.done $0x0;
	p0 =	sne.s32 s19, $0x3000  }
.Ltmp5:
0x4d: {  	s20 =	sadd.s32 $0x80, s20;
	[sflag:s14] =	ssyncadd.s32 $0xFFFFFB00;
	(pc) =	sbr.rel @p0 .LBB2_12-.Ltmp5, $3  }
0x4e: {  	[spmem:s2] =	stream.indirect.scatter.add.f32 [tilespmem:s13], [sflag:$0x2], $0x10, s20, s12, $0xb8;
	[tilespmem:$0x8880] =	vst v63  }
0x4f: {  	s19 =	sadd.s32 $0x200, s19;
	_ =	sdelay $0x1  }
0x50: {  	_ =	swait.ge [sflag:s14], $0x500  }
0x51: {  	[sflag:s14] =	ssyncset.done $0x0  }
0x52: {  	s19 =	simm.s32 $0x0;
	[sflag:s14] =	ssyncadd.s32 $0xFFFFFB00  }
0x53: {  	[tilespmem:s15], [sflag:$0x2] =	stream.linear.gather [hbm4b:s9+s19], $0xC80, $0x38;
	[tilespmem:$0x8880] =	vst v63  }
0x54: {  	_ =	swait.ge [sflag:s14], $0xC80  }
0x55: {  	[sflag:s14] =	ssyncset.done $0x0  }
0x56: {  	s31 =	simm.s32 $0x80;
	[sflag:s14] =	ssyncadd.s32 $0xFFFFF380  }
0x57: {  	[spmem:s2] =	stream.indirect.scatter.add.f32 [tilespmem:s13], [sflag:$0x2], $0x10, s31, s12, $0xb8;
	[tilespmem:$0x8880] =	vst v63  }
0x58: {  	s19 =	simm.s32 $0x200;
	_ =	swait.ge [sflag:s14], $0x500  }
.LBB2_14:
0x59: {  	s20 =	sshra.s32 s19, $0x2;
	[sflag:s14] =	ssyncset.done $0x0;
	p0 =	sne.s32 s19, $0x3000  }
.Ltmp6:
0x5a: {  	s20 =	sadd.s32 $0x80, s20;
	[sflag:s14] =	ssyncadd.s32 $0xFFFFFB00;
	(pc) =	sbr.rel @p0 .LBB2_14-.Ltmp6, $3  }
0x5b: {  	[spmem:s2] =	stream.indirect.scatter.add.f32 [tilespmem:s13], [sflag:$0x2], $0x10, s20, s12, $0xb8;
	[tilespmem:$0x8880] =	vst v63  }
0x5c: {  	s19 =	sadd.s32 $0x200, s19;
	_ =	sdelay $0x1  }
0x5d: {  	_ =	swait.ge [sflag:s14], $0x500  }
0x5e: {  	[sflag:s14] =	ssyncset.done $0x0  }
0x5f: {  	s19 =	simm.s32 $0x0;
	[sflag:s14] =	ssyncadd.s32 $0xFFFFFB00  }
0x60: {  	[tilespmem:s15], [sflag:$0x2] =	stream.linear.gather [hbm4b:s10+s19], $0xC80, $0x38;
	[tilespmem:$0x8880] =	vst v63  }
0x61: {  	_ =	swait.ge [sflag:s14], $0xC80  }
0x62: {  	[sflag:s14] =	ssyncset.done $0x0  }
0x63: {  	s31 =	simm.s32 $0x80;
	[sflag:s14] =	ssyncadd.s32 $0xFFFFF380  }
0x64: {  	[spmem:s2] =	stream.indirect.scatter.add.f32 [tilespmem:s13], [sflag:$0x2], $0x10, s31, s12, $0xb8;
	[tilespmem:$0x8880] =	vst v63  }
0x65: {  	s19 =	simm.s32 $0x200;
	_ =	swait.ge [sflag:s14], $0x500  }
.LBB2_16:
0x66: {  	s20 =	sshra.s32 s19, $0x2;
	[sflag:s14] =	ssyncset.done $0x0;
	p0 =	sne.s32 s19, $0x3000  }
.Ltmp7:
0x67: {  	s20 =	sadd.s32 $0x80, s20;
	[sflag:s14] =	ssyncadd.s32 $0xFFFFFB00;
	(pc) =	sbr.rel @p0 .LBB2_16-.Ltmp7, $3  }
0x68: {  	[spmem:s2] =	stream.indirect.scatter.add.f32 [tilespmem:s13], [sflag:$0x2], $0x10, s20, s12, $0xb8;
	[tilespmem:$0x8880] =	vst v63  }
0x69: {  	s19 =	sadd.s32 $0x200, s19;
	_ =	sdelay $0x1  }
0x6a: {  	_ =	swait.ge [sflag:s14], $0x500  }
0x6b: {  	[sflag:s14] =	ssyncset.done $0x0  }
0x6c: {  	s19 =	sadd.s32 $0x0, s4;
	[sflag:s14] =	ssyncadd.s32 $0xFFFFFB00  }
0x6d: {  	v3 =	vor.u32 s19, v1;
	s21 =	sadd.s32 $0x40, s19;
	[bflag:$0x0] =	sbarrier.arrive $0xFFFF  }
0x6e: {  	s20 =	sadd.s32 $0x10, s19;
	v4 =	vor.u32 s21, v1;
	[tilespmem:$0x0] =	vst v3  }
0x6f: {  	s31 =	sadd.s32 $0x30, s19;
	v3 =	vor.u32 s20, v1;
	[tilespmem:$0x40] =	vst v4  }
0x70: {  	s19 =	sadd.s32 $0x20, s19;
	[tilespmem:$0x10] =	vst v3;
	v3 =	vor.u32 s31, v1  }
0x71: {  	[tilespmem:$0x30] =	vst v3;
	v3 =	vor.u32 s19, v1  }
0x72: {  	[tilespmem:$0x20] =	vst v3  }
0x73: {  	[tilespmem:s16], [sflag:$0x1] =	stream.indirect.gather [spmem:s2], $0x10, s3, s12, $0xb8;
	[tilespmem:$0x8880] =	vst v63  }
0x74: {  	_ =	swait.ge [sflag:s17], $0x500  }
0x75: {  	s21 =	smov.u32 s11;
	[sflag:s17] =	ssyncset.done $0x0  }
0x76: {  	s20 =	sadd.s32 $0x500, s11;
	s19 =	simm.s32 $0x50;
	[sflag:s17] =	ssyncadd.s32 $0xFFFFFB00  }
.LBB2_18:
0x77: {  	[hbm4b:s21+s3] =	stream.linear.scatter [tilespmem:s16], [sflag:$0x2], $0x2800, $0x38;
	[tilespmem:$0x8880] =	vst v63  }
0x78: {  	s22 =	smov.u32 s19;
	s21 =	smov.u32 s20  }
0x79: {  	p0 =	sne.s32 s19, $0x230;
	s19 =	sadd.s32 $0x50, s19;
	_ =	swait.ge [sflag:s14], $0x2800  }
0x7a: {  	s22 =	sadd.s32 s22, s4;
	[sflag:s14] =	ssyncset.done $0x0  }
0x7b: {  	v3 =	vor.u32 s22, v1;
	s23 =	sadd.s32 $0x10, s22;
	s24 =	sadd.s32 $0x20, s22;
	[sflag:s14] =	ssyncadd.s32 $0xFFFFD800  }
0x7c: {  	v4 =	vor.u32 s24, v1;
	[tilespmem:$0x0] =	vst v3;
	v3 =	vor.u32 s23, v1;
	s23 =	sadd.s32 $0x30, s22;
	s22 =	sadd.s32 $0x40, s22  }
0x7d: {  	[tilespmem:$0x10] =	vst v3;
	v3 =	vor.u32 s23, v1;
	v5 =	vor.u32 s22, v1  }
0x7e: {  	[tilespmem:$0x30] =	vst v3  }
0x7f: {  	[tilespmem:$0x40] =	vst v5  }
.Ltmp8:
0x80: {  	[tilespmem:$0x20] =	vst v4;
	(pc) =	sbr.rel @p0 .LBB2_18-.Ltmp8, $4  }
0x81: {  	[tilespmem:s16], [sflag:$0x1] =	stream.indirect.gather [spmem:s2], $0x10, s3, s12, $0xb8;
	[tilespmem:$0x8880] =	vst v63  }
0x82: {  	_ =	swait.ge [sflag:s17], $0x500  }
0x83: {  	[sflag:s17] =	ssyncset.done $0x0  }
0x84: {  	s20 =	sadd.s32 $0x500, s20;
	[sflag:s17] =	ssyncadd.s32 $0xFFFFFB00  }
0x85: {  	s18 =	sadd.s32 $0x1, s18  }
0x86: {  	p0 =	sne.s32 s18, s5  }
.Ltmp9:
0x87: {  	_ = 	snop;
	(pc) =	sbr.rel @p0 .LBB2_1-.Ltmp9, $4  }
0x88: {  	[hbm4b:s21+s3] =	stream.linear.scatter [tilespmem:s16], [sflag:$0x2], $0x2800, $0x38;
	[tilespmem:$0x8880] =	vst v63  }
0x89: {  	_ =	swait.ge [sflag:s14], $0x2800  }
0x8a: {  	[sflag:s14] =	ssyncset.done $0x0  }
0x8b: {  	[sflag:s14] =	ssyncadd.s32 $0xFFFFD800  }
0x8c: {  	_ =	sfence.sel $0x180000  }
0x8d: {  	[bflag:$0x0] =	sbarrier.arrive $0xFFFF  }
0x8e: {  	p0 =	sne.s32 s1, $0x0;
	_ =	strace $0x90000047  }
0x8f: {  	s0 =	sadd.s32 @!p0 $0x100000, s0;
	[bflag:$0x2] =	sbarrier.arrive $0xFFFF  }
0x90: {  	[sflag:s0] =	ssyncadd.tile.s32 @!p0 $0x1;
	_ =	shalt  }
.Lfunc_end2:
_tile_overlayer_lowered:
.L_overlay_start_2:
0x91: {  	(tag) =	ssettag $0x2  }
0x92: {  	s0 =	rddreg [dreg:$0x0];
	s2 =	stileid.u32  }
0x93: {  	s1 =	rddreg [dreg:$0x1];
	p0 =	sne.s32 s2, $0x0  }
0x94: {  	s3 =	rddreg [dreg:$0x2];
	[bflag:$0x3] =	sbarrier.arrive $0xFFFF;
	s2 =	simm.s32 @!p0 $0x1C02  }
0x95: {  	[timem:s3], [sflag:s2] =	dma.local @!p0 [hbm:s0], s1  }
0x96: {  	s0 =	simm.s32 @!p0 $0x2  }
0x97: {  	_ =	swait.ge @!p0 [sflag:s0], s1  }
0x98: {  	s1 =	ssub.s32 @!p0 $0x0, s1;
	[sflag:s0] =	ssyncset.done @!p0 $0x0  }
0x99: {  	[sflag:s0] =	ssyncadd.s32 @!p0 s1  }
0x9a: {  	[bflag:$0x3] =	sbarrier.arrive $0xFFFF  }
0x9b: {  	_ =	shalt  }

// kernel: kernel.9.cloned.1.call-start
scs
__scs_entry_jumppad:
0x0: {  	(pc) =	sbr.rel $0x88, $3  }
0x1: {  	(tag) =	ssettag $0x0;
	lr =	simm.s32 $0x1  }
0x2: {  	[smem:$0x3F9D] =	sst lr;
	_ =	strace $0xD0000000  }
0x3: {  	_ = 	snop  }
0x4: {  	_ = 	snop  }
0x5: {  	_ = 	snop  }
0x6: {  	_ = 	snop  }
0x7: {  	_ = 	snop  }
__scs_overlays_trampoline_lowered:
0x8: {  	[smem:$0x3FAC] =	sst s0  }
0x9: {  	[smem:$0x3FAD] =	sst s1  }
0xa: {  	[smem:$0x3FAE] =	sst s2  }
0xb: {  	[smem:$0x3FAF] =	sst s3  }
0xc: {  	[smem:$0x3FB0] =	sst s4  }
0xd: {  	[smem:$0x3FB1] =	sst s5  }
0xe: {  	[smem:$0x3FB2] =	sst s6  }
0xf: {  	[smem:$0x3FB3] =	sst s7  }
0x10: {  	[smem:$0x3FB4] =	sst s8  }
0x11: {  	[smem:$0x3FB5] =	sst s9;
	s0 =	simm.s32 @!p0 $0x0  }
0x12: {  	s1 =	sld [smem:$0x3F9B];
	s0 =	simm.s32 @p0 $0x1  }
0x13: {  	[smem:$0x3FB6] =	sst s0;
	s0 =	simm.s32 @!p1 $0x0  }
0x14: {  	s2 =	sld [smem:$0x3F9A];
	s0 =	simm.s32 @p1 $0x1  }
0x15: {  	[smem:$0x3FB7] =	sst s0;
	s0 =	simm.s32 @!p2 $0x0  }
0x16: {  	s3 =	sld [smem:$0x3FDB];
	s0 =	simm.s32 @p2 $0x1  }
0x17: {  	s4 =	simm.s32 $0x1BF5;
	[smem:$0x3FB9] =	sst s0  }
0x18: {  	s0 =	sld [smem:$0x3F9C];
	_ =	swait.ge [sflag:s4], $0x0  }
0x19: {  	s7 =	sld [smem:$0x3F9D]  }
0x1a: {  	s8 =	sadd.s32 $0xFFFFE003, lr  }
0x1b: {  	s9 =	sadd.s32 $0xFFFFFEF7, lr;
	s5 =	simm.s32 $0xFFFFFFFF;
	p2 =	slt.u32 s8, $0xFFFFF086  }
0x1c: {  	p1 =	slt.u32 s9, $0xF7A;
	s5 =	simm.s32 @!p2 $0x0  }
0x1d: {  	s5 =	simm.s32 @p1 $0x1;
	p0 =	seq.s32 s7, s2  }
0x1e: {  	s7 =	smul.u32 @!p0 $0xF7A, s2;
	p2 =	seq.s32 @!p0 s5, $0x0  }
0x1f: {  	s9 =	smul.u32 $0xF7A, s1;
	s8 =	simm.s32 @!p0 $0x1BF5;
	p2 =	por !p2, p0  }
0x20: {  	[sflag:s8] =	ssyncset.s32 @!p0 $0xFFFFF086;
	s6 =	sadd.s32 @!p0 s3, s7;
	s7 =	simm.s32 @!p0 $0x108  }
0x21: {  	s3 =	sadd.s32 s3, s9;
	s6 =	sadd.s32 @!p0 $0x88, s6;
	s7 =	simm.s32 @p2 $0x1082  }
0x22: {  	[simem:s7], [sflag:s8] =	dma.local @!p0 [hbm:s6], $0xF7A  }
0x23: {  	s9 =	sor.u32 $0xD0000000, s2;
	s6 =	simm.s32 $0x108;
	_ =	swait.ge @!p0 [sflag:s8], $0x0  }
0x24: {  	s3 =	sadd.s32 $0x88, s3;
	s6 =	simm.s32 @!p1 $0x1082;
	[sflag:s4] =	ssyncset.s32 $0xFFFFF086  }
0x25: {  	[simem:s6], [sflag:s4] =	dma.local [hbm:s3], $0xF7A  }
0x26: {  	[smem:$0x3F9D] =	sst s1;
	(tag) =	ssettag s2;
	_ =	strace s9  }
0x27: {  	s1 =	sld [smem:$0x3FAD]  }
0x28: {  	s2 =	sld [smem:$0x3FAE]  }
0x29: {  	s4 =	sld [smem:$0x3FB0]  }
0x2a: {  	p0 =	seq.s32 s5, $0x0;
	s5 =	sld [smem:$0x3FB1]  }
0x2b: {  	s6 =	sld [smem:$0x3FB2]  }
0x2c: {  	s7 =	sld [smem:$0x3FB3]  }
0x2d: {  	s3 =	simm.s32 $0x108;
	s8 =	sld [smem:$0x3FB4]  }
0x2e: {  	s3 =	simm.s32 @!p0 $0x1082;
	s9 =	sld [smem:$0x3FB5]  }
0x2f: {  	lr =	sadd.s32 s0, s3;
	s0 =	sld [smem:$0x3FAC]  }
0x30: {  	s3 =	sld [smem:$0x3FAF]  }
0x31: {  	[smem:$0x3FB8] =	sst s10  }
0x32: {  	s10 =	sld [smem:$0x3FB6];
	_ =	sdelay $0x3  }
0x33: {  	p0 =	seq.s32 s10, $0x1;
	s10 =	sld [smem:$0x3FB8];
	_ =	sdelay $0x3  }
0x34: {  	[smem:$0x3FB8] =	sst s10  }
0x35: {  	s10 =	sld [smem:$0x3FB7];
	_ =	sdelay $0x3  }
0x36: {  	p1 =	seq.s32 s10, $0x1;
	s10 =	sld [smem:$0x3FB8];
	_ =	sdelay $0x3  }
0x37: {  	[smem:$0x3FB8] =	sst s10  }
0x38: {  	s10 =	sld [smem:$0x3FB9]  }
0x39: {  	_ = 	snop;
	(pc) =	sbr.ind lr, $3  }
0x3a: {  	_ = 	snop  }
0x3b: {  	_ = 	snop  }
0x3c: {  	p2 =	seq.s32 s10, $0x1;
	s10 =	sld [smem:$0x3FB8]  }
0x3d: {  	_ =	shalt  }
0x3e: {  	_ =	shalt  }
0x3f: {  	_ =	shalt  }
0x40: {  	_ =	shalt  }
0x41: {  	_ =	shalt  }
0x42: {  	_ =	shalt  }
0x43: {  	_ =	shalt  }
0x44: {  	_ =	shalt  }
0x45: {  	_ =	shalt  }
0x46: {  	_ =	shalt  }
0x47: {  	_ =	shalt  }
0x48: {  	_ =	shalt  }
0x49: {  	_ =	shalt  }
0x4a: {  	_ =	shalt  }
0x4b: {  	_ =	shalt  }
0x4c: {  	_ =	shalt  }
0x4d: {  	_ =	shalt  }
0x4e: {  	_ =	shalt  }
0x4f: {  	_ =	shalt  }
0x50: {  	_ =	shalt  }
0x51: {  	_ =	shalt  }
0x52: {  	_ =	shalt  }
0x53: {  	_ =	shalt  }
0x54: {  	_ =	shalt  }
0x55: {  	_ =	shalt  }
0x56: {  	_ =	shalt  }
0x57: {  	_ =	shalt  }
0x58: {  	_ =	shalt  }
0x59: {  	_ =	shalt  }
0x5a: {  	_ =	shalt  }
0x5b: {  	_ =	shalt  }
0x5c: {  	_ =	shalt  }
0x5d: {  	_ =	shalt  }
0x5e: {  	_ =	shalt  }
0x5f: {  	_ =	shalt  }
0x60: {  	_ =	shalt  }
0x61: {  	_ =	shalt  }
0x62: {  	_ =	shalt  }
0x63: {  	_ =	shalt  }
0x64: {  	_ =	shalt  }
0x65: {  	_ =	shalt  }
0x66: {  	_ =	shalt  }
0x67: {  	_ =	shalt  }
0x68: {  	_ =	shalt  }
0x69: {  	_ =	shalt  }
0x6a: {  	_ =	shalt  }
0x6b: {  	_ =	shalt  }
0x6c: {  	_ =	shalt  }
0x6d: {  	_ =	shalt  }
0x6e: {  	_ =	shalt  }
0x6f: {  	_ =	shalt  }
0x70: {  	_ =	shalt  }
0x71: {  	_ =	shalt  }
0x72: {  	_ =	shalt  }
0x73: {  	_ =	shalt  }
0x74: {  	_ =	shalt  }
0x75: {  	_ =	shalt  }
0x76: {  	_ =	shalt  }
0x77: {  	_ =	shalt  }
0x78: {  	_ =	shalt  }
0x79: {  	_ =	shalt  }
0x7a: {  	_ =	shalt  }
0x7b: {  	_ =	shalt  }
0x7c: {  	_ =	shalt  }
0x7d: {  	_ =	shalt  }
0x7e: {  	_ =	shalt  }
0x7f: {  	_ =	shalt  }
0x80: {  	_ =	shalt  }
0x81: {  	_ =	shalt  }
0x82: {  	_ =	shalt  }
0x83: {  	_ =	shalt  }
0x84: {  	_ =	shalt  }
0x85: {  	_ =	shalt  }
0x86: {  	_ =	shalt  }
0x87: {  	_ =	shalt  }
.Lfunc_end0:
.L_simem_size_0:
called_computation.1_lowered:
.L_overlay_start_0:
0x88: {  	s2 =	sld [smem:$0x3FD9]  }
0x89: {  	s3 =	sld [smem:$0x3FFE];
	_ =	sdelay $0x1  }
0x8a: {  	s1 =	srdreg.scid  }
0x8b: {  	s0 =	sand.u32 $0x1, s1  }
0x8c: {  	s17 =	sshll.u32 s0, $0xA;
	s2 =	sadd.s32 s3, s2  }
0x8d: {  	s2 =	sadd.s32 s2, s17  }
0x8e: {  	[smem:$0x3FC4] =	sst s2  }
0x8f: {  	_ = 	snop  }
0x90: {  	s2 =	sld [smem:$0x3FD0];
	(tm) =	ssettm $0x1  }
0x91: {  	s18 =	sld [smem:$0x3FFB];
	_ =	sdelay $0x3  }
0x92: {  	_ =	strace s18  }
0x93: {  	s3 =	sld [smem:$0x3FFC];
	_ =	sdelay $0x3  }
0x94: {  	_ =	strace s3  }
0x95: {  	s3 =	sld [smem:$0x3FFD];
	_ =	sdelay $0x3  }
0x96: {  	_ =	strace s3  }
0x97: {  	_ =	strace $0x8FFFFFFF  }
0x98: {  	s19 =	sld [smem:$0x3FDB];
	_ =	sdelay $0x1  }
0x99: {  	s4 =	simm.s32 $_scs_section_size  }
0x9a: {  	s5 =	simm.s32 $_size__tile_overlayer_lowered;
	s6 =	simm.s32 $_tile_overlayer_lowered  }
0x9b: {  	s22 =	simm.s32 $0x1BFF;
	s21 =	sshll.u32 s6, $0x1;
	s3 =	sadd.s32 s4, s19  }
0x9c: {  	s7 =	simm.s32 $0x0;
	s20 =	sshll.u32 s5, $0x1;
	s5 =	sadd.s32 s21, s3  }
0x9d: {  	[timem:s7], [sflag:s22] =	dma.local [hbm:s5], s20  }
0x9e: {  	_ =	swait.ge [sflag:s22], s20  }
0x9f: {  	s4 =	ssub.s32 $0x0, s20;
	[sflag:s22] =	ssyncset.done $0x0  }
0xa0: {  	[sflag:s22] =	ssyncadd.s32 s4;
	_ =	sdelay $0x1  }
0xa1: {  	s23 =	simm.s32 $0x1B8B  }
0xa2: {  	_ =	swait.ge [sflag:s23], $0x1  }
0xa3: {  	[sflag:s23] =	ssyncset.done $0x0  }
0xa4: {  	s25 =	simm.s32 $0x1B8E;
	s24 =	sld [smem:$0x3FFE];
	[sflag:s23] =	ssyncadd.s32 $0xFFFFFFFF  }
0xa5: {  	s26 =	simm.s32 $execute0_lowered;
	[smem:$0x3FD2] =	sst s25  }
0xa6: {  	s5 =	sshll.u32 s26, $0x1;
	_ =	strace $0x80000049;
	[dreg:$0x1] =	wrdreg $0xFFFFFFFF  }
0xa7: {  	s28 =	simm.s32 $_size_execute0_lowered;
	s3 =	sadd.s32 s3, s5;
	[dreg:$0x0] =	wrdreg $0x0  }
0xa8: {  	s5 =	sshll.u32 s28, $0x1;
	[dreg:$0x2] =	wrdreg s3  }
0xa9: {  	[dreg:$0x3] =	wrdreg s5  }
0xaa: {  	[dreg:$0x4] =	wrdreg $0xC0  }
0xab: {  	_ =	task [dreg:s7], $0x5FFFF  }
0xac: {  	[dreg:$0x1] =	wrdreg $0xFFFFFFFF  }
0xad: {  	[dreg:$0x0] =	wrdreg $0x60  }
0xae: {  	[dreg:$0x2] =	wrdreg s2  }
0xaf: {  	[dreg:$0x3] =	wrdreg s24  }
0xb0: {  	[dreg:$0x4] =	wrdreg $0x98800  }
0xb1: {  	[dreg:$0x5] =	wrdreg $0x9  }
0xb2: {  	_ =	task.clear_ibuf [dreg:s7], $0x6FFFF;
	_ =	strace $0x90000049  }
0xb3: {  	s29 =	simm.s32 $0x9;
	_ =	strace $0x8000004B  }
0xb4: {  	_ =	swait.ge [sflag:s29], $0x1  }
0xb5: {  	[sflag:s29] =	ssyncadd.s32 $0xFFFFFFFF  }
0xb6: {  	_ =	strace $0x9000004B  }
0xb7: {  	_ =	sfence  }
0xb8: {  	s30 =	sld [smem:$0x0];
	_ =	sdelay $0x2  }
0xb9: {  	s31 =	sshll.u32 s1, $0xD;
	s1 =	sshrl.u32 s1, $0x2  }
0xba: {  	s3 =	sand.u32 $0x4000, s31;
	s1 =	sadd.s32 s1, s30  }
0xbb: {  	s0 =	sor.u32 s3, s0;
	s1 =	sshll.u32 s1, $0x11  }
0xbc: {  	s0 =	sor.u32 s1, s0  }
0xbd: {  	s0 =	sadd.s32 $0x8F2B, s0  }
0xbe: {  	[sflag:s0] =	ssyncadd.remote.s32 $0x1  }
0xbf: {  	_ =	sfence.sel $0xFFFF  }
0xc0: {  	[dreg:$0x0] =	wrdreg $0xFFFFFFFF;
	(pc) =	sbr.abs _section_cstart, $3  }
0xc1: {  	[dreg:$0x1] =	wrdreg $0xFFFFFFFF  }
0xc2: {  	_ =	task.clear_ibuf [dreg:s7], $0x2FFFF;
	_ =	strace $0x9FFFFFFF  }
0xc3: {  	(tm) =	ssettm $0x7FFFFFFF  }
tec
execute0_lowered:
.L_overlay_start_1:
0x0: {  	(tag) =	ssettag $0x1  }
0x1: {  	s1 =	rddreg [dreg:$0x0]  }
0x2: {  	s7 =	rddreg [dreg:$0x1]  }
0x3: {  	s2 =	rddreg [dreg:$0x2]  }
0x4: {  	s0 =	rddreg [dreg:$0x3]  }
0x5: {  	s3 =	simm.s32 $0x0;
	s4 =	srdreg.scid;
	s13 =	simm.s32 $0x2080  }
0x6: {  	s14 =	simm.s32 $0x4;
	s15 =	simm.s32 $0x1000;
	s16 =	simm.s32 $0x4880  }
0x7: {  	s17 =	simm.s32 $0x7080;
	s18 =	simm.s32 $0x1;
	s19 =	simm.s32 $0x2  }
0x8: {  	s20 =	simm.s32 $0x1C00;
	s21 =	simm.s32 $0x3;
	s22 =	simm.s32 $0x0  }
0x9: {  	[smem:$0x7FF] =	sst s3;
	s5 =	sadd.s32 $0x65600, s7;
	s8 =	sand.u32 $0x1, s4  }
0xa: {  	s4 =	stileid.u32;
	s6 =	sadd.s32 $0x1600, s7;
	_ =	strace $0x8000004A  }
0xb: {  	s9 =	smul.u32 $0x28000, s8;
	s10 =	ssub.s32 $0x2, s8;
	s8 =	sshll.u32 s8, $0x4  }
0xc: {  	s12 =	smul.u32 $0x2800, s4;
	s11 =	sshrl.u32 s10, $0x1;
	s8 =	sor.u32 s4, s8  }
0xd: {  	s9 =	sadd.s32 s9, s7;
	s10 =	ssub.s32 s10, s11;
	s7 =	smul.u32 $0x280, s4  }
0xe: {  	s8 =	smul.u32 $0x5000, s8;
	s11 =	simm.s32 $0x50;
	s31 =	sadd.s32 s12, s9  }
0xf: {  	v0 =	vimm.f32 $0.0e+00;
	v1 =	vlaneseq.u32;
	s9 =	smax.u32 s10, $0x1;
	s12 =	simm.s32 $0x2000;
	s10 =	sadd.s32 $0x79600, s31  }
.LBB2_1:
0x10: {  	s23 =	simm.s32 $0x0;
	s24 =	simm.s32 $0x200  }
.LBB2_2:
0x11: {  	p0 =	sne.s32 s24, $0x9E00;
	[tilespmem:s23+$0x20F0] =	vst v0  }
0x12: {  	[tilespmem:s23+$0x2080] =	vst v0  }
0x13: {  	[tilespmem:s23+$0x2090] =	vst v0  }
.Ltmp0:
0x14: {  	[tilespmem:s23+$0x20A0] =	vst v0;
	(pc) =	sbr.rel @p0 .LBB2_2-.Ltmp0, $4  }
0x15: {  	[tilespmem:s23+$0x20B0] =	vst v0  }
0x16: {  	[tilespmem:s23+$0x20C0] =	vst v0  }
0x17: {  	[tilespmem:s23+$0x20D0] =	vst v0  }
0x18: {  	[tilespmem:s23+$0x20E0] =	vst v0;
	s23 =	sshra.s32 s24, $0x2;
	s24 =	sadd.s32 $0x200, s24  }
0x19: {  	[tilespmem:s23+$0x20F0] =	vst v0  }
0x1a: {  	[tilespmem:s23+$0x2080] =	vst v0  }
0x1b: {  	[tilespmem:s23+$0x2090] =	vst v0  }
0x1c: {  	[tilespmem:s23+$0x20A0] =	vst v0  }
0x1d: {  	[tilespmem:s23+$0x20B0] =	vst v0  }
0x1e: {  	[tilespmem:s23+$0x20C0] =	vst v0  }
0x1f: {  	[tilespmem:s23+$0x20D0] =	vst v0;
	s24 =	sadd.s32 $0x0, s7  }
0x20: {  	[tilespmem:s23+$0x20E0] =	vst v0;
	v2 =	vor.u32 s24, v1;
	s30 =	sadd.s32 $0x40, s24  }
0x21: {  	s25 =	sadd.s32 $0x30, s24;
	[tilespmem:$0x2000] =	vst v2;
	v2 =	vor.u32 s30, v1  }
0x22: {  	s31 =	sadd.s32 $0x20, s24;
	v3 =	vor.u32 s25, v1;
	[tilespmem:$0x2040] =	vst v2  }
0x23: {  	s23 =	simm.s32 $0x50;
	s24 =	sadd.s32 $0x10, s24;
	v2 =	vor.u32 s31, v1;
	[tilespmem:$0x2030] =	vst v3  }
.LBB2_4:
0x24: {  	p0 =	sne.s32 s23, $0x230;
	v3 =	vor.u32 s24, v1;
	[tilespmem:$0x2020] =	vst v2  }
0x25: {  	[tilespmem:$0x2010] =	vst v3;
	[spmem:s2] =	stream.indirect.scatter [tilespmem:s13], [sflag:$0x4], $0x80, s12, s11, $0xb8  }
0x26: {  	_ =	swait.ge [sflag:s14], $0x2800  }
.Ltmp1:
0x27: {  	s24 =	sadd.s32 s23, s7;
	[sflag:s14] =	ssyncset.done $0x0;
	(pc) =	sbr.rel @p0 .LBB2_4-.Ltmp1, $4  }
0x28: {  	v2 =	vor.u32 s24, v1;
	s25 =	sadd.s32 $0x40, s24;
	[sflag:s14] =	ssyncadd.s32 $0xFFFFD800  }
0x29: {  	s26 =	sadd.s32 $0x30, s24;
	[tilespmem:$0x2000] =	vst v2;
	v2 =	vor.u32 s25, v1  }
0x2a: {  	v3 =	vor.u32 s26, v1;
	s25 =	sadd.s32 $0x20, s24;
	[tilespmem:$0x2040] =	vst v2  }
0x2b: {  	s23 =	sadd.s32 $0x50, s23;
	s24 =	sadd.s32 $0x10, s24;
	v2 =	vor.u32 s25, v1;
	[tilespmem:$0x2030] =	vst v3  }
0x2c: {  	v3 =	vor.u32 s24, v1;
	[tilespmem:$0x2020] =	vst v2  }
0x2d: {  	[tilespmem:$0x2010] =	vst v3  }
0x2e: {  	[spmem:s2] =	stream.indirect.scatter [tilespmem:s13], [sflag:$0x4], $0x80, s12, s11, $0xb8;
	[tilespmem:$0x1D880] =	vst v63  }
0x2f: {  	_ =	swait.ge [sflag:s14], $0x2800  }
0x30: {  	[sflag:s14] =	ssyncset.done $0x0  }
0x31: {  	[sflag:s14] =	ssyncadd.s32 $0xFFFFD800  }
0x32: {  	s23 =	simm.s32 $0x0;
	s24 =	simm.s32 $0x0;
	[bflag:$0x0] =	sbarrier.arrive $0xFFFF  }
.LBB2_6:
0x33: {  	s25 =	sshll.u32 s24, $0xC  }
0x34: {  	s25 =	sadd.s32 s8, s25  }
0x35: {  	s25 =	sshrl.u32 s25, $0x3  }
0x36: {  	s26 =	sadd.s32 s5, s25  }
0x37: {  	[tilespmem:s23], [sflag:$0x4] =	stream.linear.gather [hbm4b:s26+s23], $0xC80, $0x38;
	[tilespmem:$0x1D880] =	vst v63  }
0x38: {  	_ =	swait.ge [sflag:s14], $0xC80  }
0x39: {  	[sflag:s14] =	ssyncset.done $0x0  }
0x3a: {  	s25 =	sadd.s32 s6, s25;
	[sflag:s14] =	ssyncadd.s32 $0xFFFFF380  }
0x3b: {  	[tilespmem:s15], [sflag:$0x4] =	stream.linear.gather [hbm4b:s25+s23], $0xC80, $0x38;
	[tilespmem:$0x1D880] =	vst v63  }
0x3c: {  	_ =	swait.ge [sflag:s14], $0xC80  }
0x3d: {  	[sflag:s14] =	ssyncset.done $0x0  }
0x3e: {  	[sflag:s14] =	ssyncadd.s32 $0xFFFFF380  }
0x3f: {  	[tilespmem:s16], [sflag:$0x1] =	stream.indirect.gather [hbm4b:s1+s11], $0x80, s23, s11, $0xb8;
	[tilespmem:$0x1D880] =	vst v63  }
0x40: {  	s28 =	simm.s32 $0x80  }
0x41: {  	[tilespmem:s17], [sflag:$0x2] =	stream.indirect.gather [hbm4b:s1+s11], $0x80, s28, s11, $0xb8;
	[tilespmem:$0x1D880] =	vst v63  }
0x42: {  	_ =	swait.ge [sflag:s18], $0x2800  }
0x43: {  	[sflag:s18] =	ssyncset.done $0x0  }
0x44: {  	s29 =	simm.s32 $0x1000;
	[sflag:s18] =	ssyncadd.s32 $0xFFFFD800  }
0x45: {  	[spmem:s2] =	stream.indirect.scatter.add.f32 [tilespmem:s16], [sflag:$0x4], $0x80, s29, s11, $0xb8;
	[tilespmem:$0x1D880] =	vst v63  }
0x46: {  	_ =	swait.ge [sflag:s14], $0x2800  }
0x47: {  	[sflag:s14] =	ssyncset.done $0x0  }
0x48: {  	s30 =	simm.s32 $0x100;
	[sflag:s14] =	ssyncadd.s32 $0xFFFFD800  }
0x49: {  	[tilespmem:s16], [sflag:$0x1] =	stream.indirect.gather [hbm4b:s1+s11], $0x80, s30, s11, $0xb8;
	[tilespmem:$0x1D880] =	vst v63  }
0x4a: {  	_ =	swait.ge [sflag:s19], $0x2800  }
0x4b: {  	[sflag:s19] =	ssyncset.done $0x0  }
0x4c: {  	s31 =	simm.s32 $0x1080;
	[sflag:s19] =	ssyncadd.s32 $0xFFFFD800  }
0x4d: {  	[spmem:s2] =	stream.indirect.scatter.add.f32 [tilespmem:s17], [sflag:$0x4], $0x80, s31, s11, $0xb8;
	[tilespmem:$0x1D880] =	vst v63  }
0x4e: {  	_ =	swait.ge [sflag:s14], $0x2800  }
0x4f: {  	s26 =	simm.s32 $0x800;
	s25 =	simm.s32 $0x100;
	[sflag:s14] =	ssyncset.done $0x0  }
.LBB2_7:
0x50: {  	s28 =	sadd.s32 $0x80, s25  }
0x51: {  	[sflag:s14] =	ssyncadd.s32 $0xFFFFD800;
	s29 =	smov.u32 s26;
	s30 =	sadd.s32 $0x400, s26  }
0x52: {  	[tilespmem:s17], [sflag:$0x2] =	stream.indirect.gather [hbm4b:s1+s11], $0x80, s28, s11, $0xb8;
	[tilespmem:$0x1D880] =	vst v63  }
0x53: {  	p0 =	sne.s32 s26, $0x2C00;
	_ =	swait.ge [sflag:s18], $0x2800  }
0x54: {  	[sflag:s18] =	ssyncset.done $0x0  }
0x55: {  	s26 =	sadd.s32 $0x1000, s25;
	[sflag:s18] =	ssyncadd.s32 $0xFFFFD800  }
0x56: {  	[spmem:s2] =	stream.indirect.scatter.add.f32 [tilespmem:s16], [sflag:$0x4], $0x80, s26, s11, $0xb8;
	[tilespmem:$0x1D880] =	vst v63  }
0x57: {  	_ =	swait.ge [sflag:s14], $0x2800  }
0x58: {  	[sflag:s14] =	ssyncset.done $0x0  }
0x59: {  	s26 =	sadd.s32 $0x100, s25;
	[sflag:s14] =	ssyncadd.s32 $0xFFFFD800  }
0x5a: {  	[tilespmem:s16], [sflag:$0x1] =	stream.indirect.gather [hbm4b:s1+s11], $0x80, s26, s11, $0xb8;
	[tilespmem:$0x1D880] =	vst v63  }
0x5b: {  	_ =	swait.ge [sflag:s19], $0x2800  }
.Ltmp2:
0x5c: {  	[sflag:s19] =	ssyncset.done $0x0;
	(pc) =	sbr.rel @p0 .LBB2_7-.Ltmp2, $4  }
0x5d: {  	s25 =	sadd.s32 $0x1080, s25;
	[sflag:s19] =	ssyncadd.s32 $0xFFFFD800  }
0x5e: {  	[spmem:s2] =	stream.indirect.scatter.add.f32 [tilespmem:s17], [sflag:$0x4], $0x80, s25, s11, $0xb8;
	[tilespmem:$0x1D880] =	vst v63  }
0x5f: {  	_ =	swait.ge [sflag:s14], $0x2800  }
0x60: {  	s26 =	smov.u32 s30;
	s25 =	sshra.s32 s29, $0x2;
	[sflag:s14] =	ssyncset.done $0x0  }
0x61: {  	s26 =	sadd.s32 $0x80, s25;
	[sflag:s14] =	ssyncadd.s32 $0xFFFFD800  }
0x62: {  	[tilespmem:s17], [sflag:$0x2] =	stream.indirect.gather [hbm4b:s1+s11], $0x80, s26, s11, $0xb8;
	[tilespmem:$0x1D880] =	vst v63  }
0x63: {  	_ =	swait.ge [sflag:s18], $0x2800  }
0x64: {  	[sflag:s18] =	ssyncset.done $0x0  }
0x65: {  	s29 =	sadd.s32 $0x1000, s25;
	[sflag:s18] =	ssyncadd.s32 $0xFFFFD800  }
0x66: {  	[spmem:s2] =	stream.indirect.scatter.add.f32 [tilespmem:s16], [sflag:$0x4], $0x80, s29, s11, $0xb8;
	[tilespmem:$0x1D880] =	vst v63  }
0x67: {  	_ =	swait.ge [sflag:s14], $0x2800  }
0x68: {  	[sflag:s14] =	ssyncset.done $0x0  }
0x69: {  	s30 =	sadd.s32 $0x100, s25;
	[sflag:s14] =	ssyncadd.s32 $0xFFFFD800  }
0x6a: {  	[tilespmem:s16], [sflag:$0x1] =	stream.indirect.gather [hbm4b:s1+s11], $0x80, s30, s11, $0xb8;
	[tilespmem:$0x1D880] =	vst v63  }
0x6b: {  	_ =	swait.ge [sflag:s19], $0x2800  }
0x6c: {  	[sflag:s19] =	ssyncset.done $0x0  }
0x6d: {  	s31 =	sadd.s32 $0x1080, s25;
	[sflag:s19] =	ssyncadd.s32 $0xFFFFD800  }
0x6e: {  	[spmem:s2] =	stream.indirect.scatter.add.f32 [tilespmem:s17], [sflag:$0x4], $0x80, s31, s11, $0xb8;
	[tilespmem:$0x1D880] =	vst v63  }
0x6f: {  	_ =	swait.ge [sflag:s14], $0x2800  }
0x70: {  	[sflag:s14] =	ssyncset.done $0x0  }
0x71: {  	[sflag:s14] =	ssyncadd.s32 $0xFFFFD800  }
0x72: {  	s24 =	sadd.s32 $0x1, s24;
	_ =	swait.ge [sflag:s18], $0x2800  }
0x73: {  	p0 =	sne.s32 s24, $0x5;
	[sflag:s18] =	ssyncset.done $0x0  }
.Ltmp3:
0x74: {  	[sflag:s18] =	ssyncadd.s32 $0xFFFFD800;
	(pc) =	sbr.rel @p0 .LBB2_6-.Ltmp3, $4  }
0x75: {  	[spmem:s2] =	stream.indirect.scatter.add.f32 [tilespmem:s16], [sflag:$0x4], $0x80, s20, s11, $0xb8;
	[tilespmem:$0x1D880] =	vst v63  }
0x76: {  	_ =	swait.ge [sflag:s14], $0x2800  }
0x77: {  	[sflag:s14] =	ssyncset.done $0x0  }
0x78: {  	[sflag:s14] =	ssyncadd.s32 $0xFFFFD800  }
0x79: {  	s23 =	sadd.s32 $0x0, s7  }
0x7a: {  	[bflag:$0x0] =	sbarrier.arrive $0xFFFF;
	v2 =	vor.u32 s23, v1;
	s24 =	sadd.s32 $0x10, s23  }
0x7b: {  	s25 =	sadd.s32 $0x40, s23;
	[tilespmem:$0x2000] =	vst v2;
	v2 =	vor.u32 s24, v1  }
0x7c: {  	s31 =	sadd.s32 $0x30, s23;
	v3 =	vor.u32 s25, v1;
	[tilespmem:$0x2010] =	vst v2  }
0x7d: {  	s23 =	sadd.s32 $0x20, s23;
	v2 =	vor.u32 s31, v1;
	[tilespmem:$0x2040] =	vst v3  }
0x7e: {  	[tilespmem:$0x2030] =	vst v2;
	v2 =	vor.u32 s23, v1  }
0x7f: {  	[tilespmem:$0x2020] =	vst v2  }
0x80: {  	[tilespmem:s13], [sflag:$0x3] =	stream.indirect.gather [spmem:s2], $0x80, s12, s11, $0xb8;
	[tilespmem:$0x1D880] =	vst v63  }
0x81: {  	_ =	swait.ge [sflag:s21], $0x2800  }
0x82: {  	s24 =	sadd.s32 $0x500, s10;
	[sflag:s21] =	ssyncset.done $0x0  }
0x83: {  	s25 =	smov.u32 s10;
	s23 =	simm.s32 $0x50;
	[sflag:s21] =	ssyncadd.s32 $0xFFFFD800  }
.LBB2_10:
0x84: {  	[hbm4b:s25+s3] =	stream.linear.scatter [tilespmem:s13], [sflag:$0x4], $0x2800, $0x38;
	[tilespmem:$0x1D880] =	vst v63  }
0x85: {  	s26 =	smov.u32 s23;
	s25 =	smov.u32 s24  }
0x86: {  	p0 =	sne.s32 s23, $0x230;
	s23 =	sadd.s32 $0x50, s23;
	_ =	swait.ge [sflag:s14], $0x2800  }
0x87: {  	s26 =	sadd.s32 s26, s7;
	[sflag:s14] =	ssyncset.done $0x0  }
0x88: {  	v2 =	vor.u32 s26, v1;
	s28 =	sadd.s32 $0x10, s26;
	s29 =	sadd.s32 $0x20, s26;
	[sflag:s14] =	ssyncadd.s32 $0xFFFFD800  }
0x89: {  	v3 =	vor.u32 s29, v1;
	[tilespmem:$0x2000] =	vst v2;
	v2 =	vor.u32 s28, v1;
	s28 =	sadd.s32 $0x30, s26;
	s26 =	sadd.s32 $0x40, s26  }
0x8a: {  	[tilespmem:$0x2010] =	vst v2;
	v2 =	vor.u32 s28, v1;
	v4 =	vor.u32 s26, v1  }
0x8b: {  	[tilespmem:$0x2030] =	vst v2  }
0x8c: {  	[tilespmem:$0x2040] =	vst v4  }
.Ltmp4:
0x8d: {  	[tilespmem:$0x2020] =	vst v3;
	(pc) =	sbr.rel @p0 .LBB2_10-.Ltmp4, $4  }
0x8e: {  	[tilespmem:s13], [sflag:$0x3] =	stream.indirect.gather [spmem:s2], $0x80, s12, s11, $0xb8;
	[tilespmem:$0x1D880] =	vst v63  }
0x8f: {  	_ =	swait.ge [sflag:s21], $0x2800  }
0x90: {  	[sflag:s21] =	ssyncset.done $0x0  }
0x91: {  	s24 =	sadd.s32 $0x500, s24;
	[sflag:s21] =	ssyncadd.s32 $0xFFFFD800  }
0x92: {  	s22 =	sadd.s32 $0x1, s22  }
0x93: {  	p0 =	sne.s32 s22, s9  }
.Ltmp5:
0x94: {  	_ = 	snop;
	(pc) =	sbr.rel @p0 .LBB2_1-.Ltmp5, $4  }
0x95: {  	[hbm4b:s25+s3] =	stream.linear.scatter [tilespmem:s13], [sflag:$0x4], $0x2800, $0x38;
	[tilespmem:$0x1D880] =	vst v63  }
0x96: {  	_ =	swait.ge [sflag:s14], $0x2800  }
0x97: {  	[sflag:s14] =	ssyncset.done $0x0  }
0x98: {  	[sflag:s14] =	ssyncadd.s32 $0xFFFFD800  }
0x99: {  	_ =	sfence.sel $0x180000  }
0x9a: {  	[bflag:$0x0] =	sbarrier.arrive $0xFFFF  }
0x9b: {  	p0 =	sne.s32 s4, $0x0;
	_ =	strace $0x9000004A  }
0x9c: {  	s0 =	sadd.s32 @!p0 $0x100000, s0;
	[bflag:$0x2] =	sbarrier.arrive $0xFFFF  }
0x9d: {  	[sflag:s0] =	ssyncadd.tile.s32 @!p0 $0x1;
	_ =	shalt  }
.Lfunc_end2:
_tile_overlayer_lowered:
.L_overlay_start_2:
0x9e: {  	(tag) =	ssettag $0x2  }
0x9f: {  	s0 =	rddreg [dreg:$0x0];
	s2 =	stileid.u32  }
0xa0: {  	s1 =	rddreg [dreg:$0x1];
	p0 =	sne.s32 s2, $0x0  }
0xa1: {  	s3 =	rddreg [dreg:$0x2];
	[bflag:$0x3] =	sbarrier.arrive $0xFFFF;
	s2 =	simm.s32 @!p0 $0x1C04  }
0xa2: {  	[timem:s3], [sflag:s2] =	dma.local @!p0 [hbm:s0], s1  }
0xa3: {  	s0 =	simm.s32 @!p0 $0x4  }
0xa4: {  	_ =	swait.ge @!p0 [sflag:s0], s1  }
0xa5: {  	s1 =	ssub.s32 @!p0 $0x0, s1;
	[sflag:s0] =	ssyncset.done @!p0 $0x0  }
0xa6: {  	[sflag:s0] =	ssyncadd.s32 @!p0 s1  }
0xa7: {  	[bflag:$0x3] =	sbarrier.arrive $0xFFFF  }
0xa8: {  	_ =	shalt  }

</sc_bundles>
